<compile_context>
chip_gen: v7x
topology: tpu7x:2x2x1
jax: 0.10.2.dev20260603
libtpu: 0.0.44.dev20260713+nightly
codegen_flags: <defaults>
</compile_context>

<pallas_src>
import functools

import jax
import jax.numpy as jnp
from jax import lax
from jax.experimental import pallas as pl
from jax.experimental.pallas import tpu as pltpu
from jax.experimental.pallas import tpu_sc as plsc

B = 16384
L = 200
D = 128
H1 = 64
H2 = 2

NC, NS = 2, 16
NW = NC * NS
GS = 128
HN = 2
Q2 = 2
HS = Q2 * GS
SPW = HN * HS

_mesh = plsc.VectorSubcoreMesh(
    core_axis_name="c", subcore_axis_name="s", num_cores=NC, num_subcores=NS
)


@functools.partial(
    pl.kernel,
    out_type=jax.ShapeDtypeStruct((2, B, D), jnp.float32),
    mesh=_mesh,
    scratch_types=[
        pltpu.VMEM((2, HS, D), jnp.float32),
        pltpu.VMEM((3, Q2, GS), jnp.int32),
        pltpu.SemaphoreType.DMA,
        pltpu.SemaphoreType.DMA,
    ],
)
def _emb_sum(idx_hbm, table_hbm, out_hbm, acc_v, idx_v, gsem, isem):
    wid = lax.axis_index("s") * NC + lax.axis_index("c")

    def gathers(buf, par, add):
        return [
            pltpu.async_copy(
                table_hbm.at[idx_v.at[buf, q]],
                acc_v.at[par, pl.ds(q * GS, GS)],
                gsem,
                add=add,
            )
            for q in range(Q2)
        ]

    def wait_gathers():
        for q in range(Q2):
            pltpu.make_async_copy(
                table_hbm.at[idx_v.at[0, q]],
                acc_v.at[0, pl.ds(q * GS, GS)],
                gsem,
            ).wait()

    for h in range(HN):
        hbase = (wid * HN + h) * L

        pltpu.sync_copy(idx_hbm.at[hbase], idx_v.at[0])
        pltpu.async_copy(idx_hbm.at[hbase + 1], idx_v.at[1], isem)
        pltpu.async_copy(idx_hbm.at[hbase + 2], idx_v.at[2], isem)
        gathers(0, 0, add=False)
        pltpu.make_async_copy(idx_hbm.at[hbase + 1], idx_v.at[1], isem).wait()
        gathers(1, 1, add=False)
        wait_gathers()
        pltpu.async_copy(idx_hbm.at[hbase + 3], idx_v.at[0], isem)

        def body(j, carry):
            buf = lax.rem(j, 3)
            par = lax.rem(j, 2)
            pltpu.make_async_copy(idx_hbm.at[hbase + j], idx_v.at[buf], isem).wait()
            gathers(buf, par, add=True)
            wait_gathers()

            @pl.when(j < L - 2)
            def _():
                pltpu.async_copy(
                    idx_hbm.at[hbase + j + 2], idx_v.at[lax.rem(j + 2, 3)], isem
                )

            return carry

        lax.fori_loop(2, L, body, 0)
        wait_gathers()

        obase = wid * SPW + h * HS
        pltpu.sync_copy(acc_v.at[0], out_hbm.at[0, pl.ds(obase, HS)])
        pltpu.sync_copy(acc_v.at[1], out_hbm.at[1, pl.ds(obase, HS)])


BLK = 2048


def _mlp_body(h0_ref, h1_ref, w1_ref, b1_ref, w2_ref, b2_ref, o_ref):
    h = h0_ref[0] + h1_ref[0]
    z = jnp.dot(h, w1_ref[...], preferred_element_type=jnp.float32) + b1_ref[...]
    z = jnp.maximum(z, 0.0)
    o_ref[...] = (
        jnp.dot(z, w2_ref[...], preferred_element_type=jnp.float32) + b2_ref[...]
    )


_mlp = pl.pallas_call(
    _mlp_body,
    grid=(B // BLK,),
    in_specs=[
        pl.BlockSpec((1, BLK, D), lambda i: (0, i, 0)),
        pl.BlockSpec((1, BLK, D), lambda i: (1, i, 0)),
        pl.BlockSpec((D, H1), lambda i: (0, 0)),
        pl.BlockSpec((1, H1), lambda i: (0, 0)),
        pl.BlockSpec((H1, H2), lambda i: (0, 0)),
        pl.BlockSpec((1, H2), lambda i: (0, 0)),
    ],
    out_specs=pl.BlockSpec((BLK, H2), lambda i: (i, 0)),
    out_shape=jax.ShapeDtypeStruct((B, H2), jnp.float32),
)


def kernel(x, table, W1, b1, W2, b2):
    x = x.astype(jnp.int32)
    idx = (
        x.reshape(NW, HN, Q2, GS, L)
        .transpose(0, 1, 4, 2, 3)
        .reshape(NW * HN * L, Q2, GS)
    )
    sums = _emb_sum(idx, table)
    w1t = (W1 * (1.0 / L)).T
    return _mlp(sums, sums, w1t, b1.reshape(1, H1), W2.T, b2.reshape(1, H2))

# --- scband reference (transcript-rebuilt; emitter-appended) ---
"""Pipeline reference for scband-text-model-31095563223261 (READ-ONLY COPY).

The authoritative reference and input builder live on the scoring server;
editing this copy changes nothing except your own understanding.
"""

import jax, jax.numpy as jnp
import numpy as np

VOCAB = 100000
EMBED_DIM = 128
BATCH = 16384
HIST = 200

def setup_inputs(seed: int = 0) -> dict:
    key = jax.random.key(seed)
    k1, k2, k3, k4, k5, k6 = jax.random.split(key, 6)
    x = jax.random.randint(k1, (BATCH, HIST), 0, VOCAB, dtype=jnp.int64 if jax.config.jax_enable_x64 else jnp.int32)
    table = jax.random.normal(k2, (VOCAB, EMBED_DIM), dtype=jnp.float32)
    W1 = jax.random.normal(k3, (64, EMBED_DIM), dtype=jnp.float32) * (1.0 / np.sqrt(EMBED_DIM))
    b1 = jax.random.normal(k4, (64,), dtype=jnp.float32) * 0.01
    W2 = jax.random.normal(k5, (2, 64), dtype=jnp.float32) * (1.0 / np.sqrt(64))
    b2 = jax.random.normal(k6, (2,), dtype=jnp.float32) * 0.01
    return {"x": x, "table": table, "W1": W1, "b1": b1, "W2": W2, "b2": b2}

def reference(x, table, W1, b1, W2, b2):
    # embedding lookup: [B, L, D]
    emb = jnp.take(table, x, axis=0)
    # mean over sequence dim
    h = emb.mean(axis=1)
    # fc1 + relu (torch Linear: y = h @ W.T + b)
    h = jax.nn.relu(h @ W1.T + b1)
    # fc2
    out = h @ W2.T + b2
    return out

if __name__ == "__main__":
    import jax
    _d = setup_inputs()
    print(jax.jit(kernel)(*tuple(_d.values())))

</pallas_src>

<mosaic_0001>
#map = affine_map<(d0, d1) -> (0, 0, 0)>
#map1 = affine_map<(d0, d1) -> (0, 0)>
module attributes {stable_mosaic.version = 14 : i64} {
  func.func @_emb_sum(%arg0: i32, %arg1: i32, %arg2: memref<12800x2x128xi32, #tpu.memory_space<hbm>>, %arg3: memref<100000x128xf32, #tpu.memory_space<hbm>>, %arg4: memref<2x16384x128xf32, #tpu.memory_space<hbm>>, %arg5: memref<2x256x128xf32, #tpu.memory_space<vmem>>, %arg6: memref<3x2x128xi32, #tpu.memory_space<vmem>>, %arg7: memref<!tpu.dma_semaphore, #tpu.memory_space<semaphore_mem>>, %arg8: memref<!tpu.dma_semaphore, #tpu.memory_space<semaphore_mem>>) attributes {dimension_semantics = [#tpu.dimension_semantics<core_parallel>, #tpu.dimension_semantics<subcore_parallel>], iteration_bounds = array<i64: 2, 16>, scalar_prefetch = 0 : i64, scratch_operands = 4 : i64, tpu.core_type = #tpu.core_type<sc_vector_subcore>, window_params = [{transform_indices = #map}, {transform_indices = #map1}, {transform_indices = #map}]} {
    %mul3A = arith.constant 2 : i32
    %mul3A_0 = arith.muli %arg1, %mul3A : i32
    %add3A = arith.addi %mul3A_0, %arg0 : i32
    %mul3A_1 = arith.constant 2 : i32
    %mul3A_2 = arith.muli %add3A, %mul3A_1 : i32
    %add3A_3 = arith.constant 0 : i32
    %add3A_4 = arith.addi %mul3A_2, %add3A_3 : i32
    %mul3A_5 = arith.constant 200 : i32
    %mul3A_6 = arith.muli %add3A_4, %mul3A_5 : i32
    %run_scoped3A = arith.constant 0 : i32
    "tpu.region"() ({
      %run_scoped3A_399 = tpu.sem_alloc : memref<!tpu.dma_semaphore, #tpu.memory_space<semaphore_mem>>
      %dma_start3A_400 = arith.constant 0 : i32
      %dma_start3A_401 = arith.constant 0 : i32
      %dma_start3A_402 = tpu.memref_slice %arg6[%run_scoped3A, %dma_start3A_400, %dma_start3A_401] : memref<3x2x128xi32, #tpu.memory_space<vmem>> -> memref<1x2x128xi32, #tpu.memory_space<vmem>>
      %dma_start3A_403 = tpu.memref_squeeze %dma_start3A_402 : memref<1x2x128xi32, #tpu.memory_space<vmem>> -> memref<2x128xi32, #tpu.memory_space<vmem>>
      %dma_start3A_404 = arith.constant 0 : i32
      %dma_start3A_405 = arith.constant 0 : i32
      %dma_start3A_406 = tpu.memref_slice %arg2[%mul3A_6, %dma_start3A_404, %dma_start3A_405] : memref<12800x2x128xi32, #tpu.memory_space<hbm>> -> memref<1x2x128xi32, #tpu.memory_space<hbm>>
      %dma_start3A_407 = tpu.memref_squeeze %dma_start3A_406 : memref<1x2x128xi32, #tpu.memory_space<hbm>> -> memref<2x128xi32, #tpu.memory_space<hbm>>
      %dma_start3A_408 = arith.constant 0 : i32
      %dma_start3A_409 = arith.constant 0 : i32
      %dma_start3A_410 = tpu.memref_slice %arg6[%run_scoped3A, %dma_start3A_408, %dma_start3A_409] : memref<3x2x128xi32, #tpu.memory_space<vmem>> -> memref<1x2x128xi32, #tpu.memory_space<vmem>>
      %dma_start3A_411 = tpu.memref_squeeze %dma_start3A_410 : memref<1x2x128xi32, #tpu.memory_space<vmem>> -> memref<2x128xi32, #tpu.memory_space<vmem>>
      %dma_start3A_412 = arith.constant 0 : i32
      %dma_start3A_413 = arith.constant 0 : i32
      %dma_start3A_414 = tpu.memref_slice %arg2[%mul3A_6, %dma_start3A_412, %dma_start3A_413] : memref<12800x2x128xi32, #tpu.memory_space<hbm>> -> memref<1x2x128xi32, #tpu.memory_space<hbm>>
      %dma_start3A_415 = tpu.memref_squeeze %dma_start3A_414 : memref<1x2x128xi32, #tpu.memory_space<hbm>> -> memref<2x128xi32, #tpu.memory_space<hbm>>
      tpu.enqueue_dma source(%dma_start3A_415 : memref<2x128xi32, #tpu.memory_space<hbm>>) target(%dma_start3A_411 : memref<2x128xi32, #tpu.memory_space<vmem>>) target_semaphore(%run_scoped3A_399 : memref<!tpu.dma_semaphore, #tpu.memory_space<semaphore_mem>>)
      %dma_wait3A_416 = arith.constant 0 : i32
      %dma_wait3A_417 = arith.constant 0 : i32
      %dma_wait3A_418 = tpu.memref_slice %arg6[%run_scoped3A, %dma_wait3A_416, %dma_wait3A_417] : memref<3x2x128xi32, #tpu.memory_space<vmem>> -> memref<1x2x128xi32, #tpu.memory_space<vmem>>
      %dma_wait3A_419 = tpu.memref_squeeze %dma_wait3A_418 : memref<1x2x128xi32, #tpu.memory_space<vmem>> -> memref<2x128xi32, #tpu.memory_space<vmem>>
      %dma_wait3A_420 = arith.constant 0 : i32
      %dma_wait3A_421 = arith.constant 0 : i32
      %dma_wait3A_422 = tpu.memref_slice %arg2[%mul3A_6, %dma_wait3A_420, %dma_wait3A_421] : memref<12800x2x128xi32, #tpu.memory_space<hbm>> -> memref<1x2x128xi32, #tpu.memory_space<hbm>>
      %dma_wait3A_423 = tpu.memref_squeeze %dma_wait3A_422 : memref<1x2x128xi32, #tpu.memory_space<hbm>> -> memref<2x128xi32, #tpu.memory_space<hbm>>
      %dma_wait3A_424 = arith.constant 0 : i32
      %dma_wait3A_425 = arith.constant 0 : i32
      %dma_wait3A_426 = tpu.memref_slice %arg6[%run_scoped3A, %dma_wait3A_424, %dma_wait3A_425] : memref<3x2x128xi32, #tpu.memory_space<vmem>> -> memref<1x2x128xi32, #tpu.memory_space<vmem>>
      %dma_wait3A_427 = tpu.memref_squeeze %dma_wait3A_426 : memref<1x2x128xi32, #tpu.memory_space<vmem>> -> memref<2x128xi32, #tpu.memory_space<vmem>>
      %dma_wait3A_428 = arith.constant 0 : i32
      %dma_wait3A_429 = arith.constant 0 : i32
      %dma_wait3A_430 = tpu.memref_slice %arg2[%mul3A_6, %dma_wait3A_428, %dma_wait3A_429] : memref<12800x2x128xi32, #tpu.memory_space<hbm>> -> memref<1x2x128xi32, #tpu.memory_space<hbm>>
      %dma_wait3A_431 = tpu.memref_squeeze %dma_wait3A_430 : memref<1x2x128xi32, #tpu.memory_space<hbm>> -> memref<2x128xi32, #tpu.memory_space<hbm>>
      tpu.wait_dma2 semaphore(%run_scoped3A_399 : memref<!tpu.dma_semaphore, #tpu.memory_space<semaphore_mem>>) src(%dma_wait3A_431 : memref<2x128xi32, #tpu.memory_space<hbm>>) dst(%dma_wait3A_427 : memref<2x128xi32, #tpu.memory_space<vmem>>)
      tpu.yield
    }) : () -> ()
    %add3A_7 = arith.constant 1 : i32
    %add3A_8 = arith.addi %mul3A_6, %add3A_7 : i32
    %dma_start3A = arith.constant 1 : i32
    %dma_start3A_9 = arith.constant 0 : i32
    %dma_start3A_10 = arith.constant 0 : i32
    %dma_start3A_11 = tpu.memref_slice %arg6[%dma_start3A, %dma_start3A_9, %dma_start3A_10] : memref<3x2x128xi32, #tpu.memory_space<vmem>> -> memref<1x2x128xi32, #tpu.memory_space<vmem>>
    %dma_start3A_12 = tpu.memref_squeeze %dma_start3A_11 : memref<1x2x128xi32, #tpu.memory_space<vmem>> -> memref<2x128xi32, #tpu.memory_space<vmem>>
    %dma_start3A_13 = arith.constant 0 : i32
    %dma_start3A_14 = arith.constant 0 : i32
    %dma_start3A_15 = tpu.memref_slice %arg2[%add3A_8, %dma_start3A_13, %dma_start3A_14] : memref<12800x2x128xi32, #tpu.memory_space<hbm>> -> memref<1x2x128xi32, #tpu.memory_space<hbm>>
    %dma_start3A_16 = tpu.memref_squeeze %dma_start3A_15 : memref<1x2x128xi32, #tpu.memory_space<hbm>> -> memref<2x128xi32, #tpu.memory_space<hbm>>
    %dma_start3A_17 = arith.constant 0 : i32
    %dma_start3A_18 = arith.constant 0 : i32
    %dma_start3A_19 = tpu.memref_slice %arg6[%dma_start3A, %dma_start3A_17, %dma_start3A_18] : memref<3x2x128xi32, #tpu.memory_space<vmem>> -> memref<1x2x128xi32, #tpu.memory_space<vmem>>
    %dma_start3A_20 = tpu.memref_squeeze %dma_start3A_19 : memref<1x2x128xi32, #tpu.memory_space<vmem>> -> memref<2x128xi32, #tpu.memory_space<vmem>>
    %dma_start3A_21 = arith.constant 0 : i32
    %dma_start3A_22 = arith.constant 0 : i32
    %dma_start3A_23 = tpu.memref_slice %arg2[%add3A_8, %dma_start3A_21, %dma_start3A_22] : memref<12800x2x128xi32, #tpu.memory_space<hbm>> -> memref<1x2x128xi32, #tpu.memory_space<hbm>>
    %dma_start3A_24 = tpu.memref_squeeze %dma_start3A_23 : memref<1x2x128xi32, #tpu.memory_space<hbm>> -> memref<2x128xi32, #tpu.memory_space<hbm>>
    tpu.enqueue_dma source(%dma_start3A_24 : memref<2x128xi32, #tpu.memory_space<hbm>>) target(%dma_start3A_20 : memref<2x128xi32, #tpu.memory_space<vmem>>) target_semaphore(%arg8 : memref<!tpu.dma_semaphore, #tpu.memory_space<semaphore_mem>>)
    %add3A_25 = arith.constant 2 : i32
    %add3A_26 = arith.addi %mul3A_6, %add3A_25 : i32
    %dma_start3A_27 = arith.constant 2 : i32
    %dma_start3A_28 = arith.constant 0 : i32
    %dma_start3A_29 = arith.constant 0 : i32
    %dma_start3A_30 = tpu.memref_slice %arg6[%dma_start3A_27, %dma_start3A_28, %dma_start3A_29] : memref<3x2x128xi32, #tpu.memory_space<vmem>> -> memref<1x2x128xi32, #tpu.memory_space<vmem>>
    %dma_start3A_31 = tpu.memref_squeeze %dma_start3A_30 : memref<1x2x128xi32, #tpu.memory_space<vmem>> -> memref<2x128xi32, #tpu.memory_space<vmem>>
    %dma_start3A_32 = arith.constant 0 : i32
    %dma_start3A_33 = arith.constant 0 : i32
    %dma_start3A_34 = tpu.memref_slice %arg2[%add3A_26, %dma_start3A_32, %dma_start3A_33] : memref<12800x2x128xi32, #tpu.memory_space<hbm>> -> memref<1x2x128xi32, #tpu.memory_space<hbm>>
    %dma_start3A_35 = tpu.memref_squeeze %dma_start3A_34 : memref<1x2x128xi32, #tpu.memory_space<hbm>> -> memref<2x128xi32, #tpu.memory_space<hbm>>
    %dma_start3A_36 = arith.constant 0 : i32
    %dma_start3A_37 = arith.constant 0 : i32
    %dma_start3A_38 = tpu.memref_slice %arg6[%dma_start3A_27, %dma_start3A_36, %dma_start3A_37] : memref<3x2x128xi32, #tpu.memory_space<vmem>> -> memref<1x2x128xi32, #tpu.memory_space<vmem>>
    %dma_start3A_39 = tpu.memref_squeeze %dma_start3A_38 : memref<1x2x128xi32, #tpu.memory_space<vmem>> -> memref<2x128xi32, #tpu.memory_space<vmem>>
    %dma_start3A_40 = arith.constant 0 : i32
    %dma_start3A_41 = arith.constant 0 : i32
    %dma_start3A_42 = tpu.memref_slice %arg2[%add3A_26, %dma_start3A_40, %dma_start3A_41] : memref<12800x2x128xi32, #tpu.memory_space<hbm>> -> memref<1x2x128xi32, #tpu.memory_space<hbm>>
    %dma_start3A_43 = tpu.memref_squeeze %dma_start3A_42 : memref<1x2x128xi32, #tpu.memory_space<hbm>> -> memref<2x128xi32, #tpu.memory_space<hbm>>
    tpu.enqueue_dma source(%dma_start3A_43 : memref<2x128xi32, #tpu.memory_space<hbm>>) target(%dma_start3A_39 : memref<2x128xi32, #tpu.memory_space<vmem>>) target_semaphore(%arg8 : memref<!tpu.dma_semaphore, #tpu.memory_space<semaphore_mem>>)
    %dma_start3A_44 = arith.constant 0 : i32
    %dma_start3A_45 = arith.constant 0 : i32
    %dma_start3A_46 = arith.constant 0 : i32
    %dma_start3A_47 = arith.constant 0 : i32
    %dma_start3A_48 = arith.constant 0 : i32
    %dma_start3A_49 = tpu.memref_slice %arg5[%dma_start3A_46, %dma_start3A_47, %dma_start3A_48] : memref<2x256x128xf32, #tpu.memory_space<vmem>> -> memref<1x128x128xf32, #tpu.memory_space<vmem>>
    %dma_start3A_50 = tpu.memref_squeeze %dma_start3A_49 : memref<1x128x128xf32, #tpu.memory_space<vmem>> -> memref<128x128xf32, #tpu.memory_space<vmem>>
    %dma_start3A_51 = arith.constant 0 : i32
    %dma_start3A_52 = tpu.memref_slice %arg6[%dma_start3A_44, %dma_start3A_45, %dma_start3A_51] : memref<3x2x128xi32, #tpu.memory_space<vmem>> -> memref<1x1x128xi32, #tpu.memory_space<vmem>>
    %dma_start3A_53 = tpu.memref_squeeze %dma_start3A_52 : memref<1x1x128xi32, #tpu.memory_space<vmem>> -> memref<128xi32, #tpu.memory_space<vmem>>
    %dma_start3A_54 = arith.constant 0 : i32
    %dma_start3A_55 = arith.constant 0 : i32
    %dma_start3A_56 = tpu.memref_slice %arg3[%dma_start3A_54, %dma_start3A_55] : memref<100000x128xf32, #tpu.memory_space<hbm>> -> memref<100000x128xf32, #tpu.memory_space<hbm>>
    tpu.enqueue_indirect_dma source(%dma_start3A_56 : memref<100000x128xf32, #tpu.memory_space<hbm>>) target(%dma_start3A_50 : memref<128x128xf32, #tpu.memory_space<vmem>>) offsets(%dma_start3A_53 : memref<128xi32, #tpu.memory_space<vmem>>) semaphore(%arg7 : memref<!tpu.dma_semaphore, #tpu.memory_space<semaphore_mem>>)
    %dma_start3A_57 = arith.constant 0 : i32
    %dma_start3A_58 = arith.constant 1 : i32
    %dma_start3A_59 = arith.constant 0 : i32
    %dma_start3A_60 = arith.constant 128 : i32
    %dma_start3A_61 = arith.constant 0 : i32
    %dma_start3A_62 = tpu.memref_slice %arg5[%dma_start3A_59, %dma_start3A_60, %dma_start3A_61] : memref<2x256x128xf32, #tpu.memory_space<vmem>> -> memref<1x128x128xf32, #tpu.memory_space<vmem>>
    %dma_start3A_63 = tpu.memref_squeeze %dma_start3A_62 : memref<1x128x128xf32, #tpu.memory_space<vmem>> -> memref<128x128xf32, #tpu.memory_space<vmem>>
    %dma_start3A_64 = arith.constant 0 : i32
    %dma_start3A_65 = tpu.memref_slice %arg6[%dma_start3A_57, %dma_start3A_58, %dma_start3A_64] : memref<3x2x128xi32, #tpu.memory_space<vmem>> -> memref<1x1x128xi32, #tpu.memory_space<vmem>>
    %dma_start3A_66 = tpu.memref_squeeze %dma_start3A_65 : memref<1x1x128xi32, #tpu.memory_space<vmem>> -> memref<128xi32, #tpu.memory_space<vmem>>
    %dma_start3A_67 = arith.constant 0 : i32
    %dma_start3A_68 = arith.constant 0 : i32
    %dma_start3A_69 = tpu.memref_slice %arg3[%dma_start3A_67, %dma_start3A_68] : memref<100000x128xf32, #tpu.memory_space<hbm>> -> memref<100000x128xf32, #tpu.memory_space<hbm>>
    tpu.enqueue_indirect_dma source(%dma_start3A_69 : memref<100000x128xf32, #tpu.memory_space<hbm>>) target(%dma_start3A_63 : memref<128x128xf32, #tpu.memory_space<vmem>>) offsets(%dma_start3A_66 : memref<128xi32, #tpu.memory_space<vmem>>) semaphore(%arg7 : memref<!tpu.dma_semaphore, #tpu.memory_space<semaphore_mem>>)
    %add3A_70 = arith.constant 1 : i32
    %add3A_71 = arith.addi %mul3A_6, %add3A_70 : i32
    %dma_wait3A = arith.constant 1 : i32
    %dma_wait3A_72 = arith.constant 0 : i32
    %dma_wait3A_73 = arith.constant 0 : i32
    %dma_wait3A_74 = tpu.memref_slice %arg6[%dma_wait3A, %dma_wait3A_72, %dma_wait3A_73] : memref<3x2x128xi32, #tpu.memory_space<vmem>> -> memref<1x2x128xi32, #tpu.memory_space<vmem>>
    %dma_wait3A_75 = tpu.memref_squeeze %dma_wait3A_74 : memref<1x2x128xi32, #tpu.memory_space<vmem>> -> memref<2x128xi32, #tpu.memory_space<vmem>>
    %dma_wait3A_76 = arith.constant 0 : i32
    %dma_wait3A_77 = arith.constant 0 : i32
    %dma_wait3A_78 = tpu.memref_slice %arg2[%add3A_71, %dma_wait3A_76, %dma_wait3A_77] : memref<12800x2x128xi32, #tpu.memory_space<hbm>> -> memref<1x2x128xi32, #tpu.memory_space<hbm>>
    %dma_wait3A_79 = tpu.memref_squeeze %dma_wait3A_78 : memref<1x2x128xi32, #tpu.memory_space<hbm>> -> memref<2x128xi32, #tpu.memory_space<hbm>>
    %dma_wait3A_80 = arith.constant 0 : i32
    %dma_wait3A_81 = arith.constant 0 : i32
    %dma_wait3A_82 = tpu.memref_slice %arg6[%dma_wait3A, %dma_wait3A_80, %dma_wait3A_81] : memref<3x2x128xi32, #tpu.memory_space<vmem>> -> memref<1x2x128xi32, #tpu.memory_space<vmem>>
    %dma_wait3A_83 = tpu.memref_squeeze %dma_wait3A_82 : memref<1x2x128xi32, #tpu.memory_space<vmem>> -> memref<2x128xi32, #tpu.memory_space<vmem>>
    %dma_wait3A_84 = arith.constant 0 : i32
    %dma_wait3A_85 = arith.constant 0 : i32
    %dma_wait3A_86 = tpu.memref_slice %arg2[%add3A_71, %dma_wait3A_84, %dma_wait3A_85] : memref<12800x2x128xi32, #tpu.memory_space<hbm>> -> memref<1x2x128xi32, #tpu.memory_space<hbm>>
    %dma_wait3A_87 = tpu.memref_squeeze %dma_wait3A_86 : memref<1x2x128xi32, #tpu.memory_space<hbm>> -> memref<2x128xi32, #tpu.memory_space<hbm>>
    tpu.wait_dma2 semaphore(%arg8 : memref<!tpu.dma_semaphore, #tpu.memory_space<semaphore_mem>>) src(%dma_wait3A_87 : memref<2x128xi32, #tpu.memory_space<hbm>>) dst(%dma_wait3A_83 : memref<2x128xi32, #tpu.memory_space<vmem>>)
    %dma_start3A_88 = arith.constant 1 : i32
    %dma_start3A_89 = arith.constant 0 : i32
    %dma_start3A_90 = arith.constant 1 : i32
    %dma_start3A_91 = arith.constant 0 : i32
    %dma_start3A_92 = arith.constant 0 : i32
    %dma_start3A_93 = tpu.memref_slice %arg5[%dma_start3A_90, %dma_start3A_91, %dma_start3A_92] : memref<2x256x128xf32, #tpu.memory_space<vmem>> -> memref<1x128x128xf32, #tpu.memory_space<vmem>>
    %dma_start3A_94 = tpu.memref_squeeze %dma_start3A_93 : memref<1x128x128xf32, #tpu.memory_space<vmem>> -> memref<128x128xf32, #tpu.memory_space<vmem>>
    %dma_start3A_95 = arith.constant 0 : i32
    %dma_start3A_96 = tpu.memref_slice %arg6[%dma_start3A_88, %dma_start3A_89, %dma_start3A_95] : memref<3x2x128xi32, #tpu.memory_space<vmem>> -> memref<1x1x128xi32, #tpu.memory_space<vmem>>
    %dma_start3A_97 = tpu.memref_squeeze %dma_start3A_96 : memref<1x1x128xi32, #tpu.memory_space<vmem>> -> memref<128xi32, #tpu.memory_space<vmem>>
    %dma_start3A_98 = arith.constant 0 : i32
    %dma_start3A_99 = arith.constant 0 : i32
    %dma_start3A_100 = tpu.memref_slice %arg3[%dma_start3A_98, %dma_start3A_99] : memref<100000x128xf32, #tpu.memory_space<hbm>> -> memref<100000x128xf32, #tpu.memory_space<hbm>>
    tpu.enqueue_indirect_dma source(%dma_start3A_100 : memref<100000x128xf32, #tpu.memory_space<hbm>>) target(%dma_start3A_94 : memref<128x128xf32, #tpu.memory_space<vmem>>) offsets(%dma_start3A_97 : memref<128xi32, #tpu.memory_space<vmem>>) semaphore(%arg7 : memref<!tpu.dma_semaphore, #tpu.memory_space<semaphore_mem>>)
    %dma_start3A_101 = arith.constant 1 : i32
    %dma_start3A_102 = arith.constant 1 : i32
    %dma_start3A_103 = arith.constant 1 : i32
    %dma_start3A_104 = arith.constant 128 : i32
    %dma_start3A_105 = arith.constant 0 : i32
    %dma_start3A_106 = tpu.memref_slice %arg5[%dma_start3A_103, %dma_start3A_104, %dma_start3A_105] : memref<2x256x128xf32, #tpu.memory_space<vmem>> -> memref<1x128x128xf32, #tpu.memory_space<vmem>>
    %dma_start3A_107 = tpu.memref_squeeze %dma_start3A_106 : memref<1x128x128xf32, #tpu.memory_space<vmem>> -> memref<128x128xf32, #tpu.memory_space<vmem>>
    %dma_start3A_108 = arith.constant 0 : i32
    %dma_start3A_109 = tpu.memref_slice %arg6[%dma_start3A_101, %dma_start3A_102, %dma_start3A_108] : memref<3x2x128xi32, #tpu.memory_space<vmem>> -> memref<1x1x128xi32, #tpu.memory_space<vmem>>
    %dma_start3A_110 = tpu.memref_squeeze %dma_start3A_109 : memref<1x1x128xi32, #tpu.memory_space<vmem>> -> memref<128xi32, #tpu.memory_space<vmem>>
    %dma_start3A_111 = arith.constant 0 : i32
    %dma_start3A_112 = arith.constant 0 : i32
    %dma_start3A_113 = tpu.memref_slice %arg3[%dma_start3A_111, %dma_start3A_112] : memref<100000x128xf32, #tpu.memory_space<hbm>> -> memref<100000x128xf32, #tpu.memory_space<hbm>>
    tpu.enqueue_indirect_dma source(%dma_start3A_113 : memref<100000x128xf32, #tpu.memory_space<hbm>>) target(%dma_start3A_107 : memref<128x128xf32, #tpu.memory_space<vmem>>) offsets(%dma_start3A_110 : memref<128xi32, #tpu.memory_space<vmem>>) semaphore(%arg7 : memref<!tpu.dma_semaphore, #tpu.memory_space<semaphore_mem>>)
    %dma_wait3A_114 = arith.constant 0 : i32
    %dma_wait3A_115 = arith.constant 0 : i32
    %dma_wait3A_116 = arith.constant 0 : i32
    %dma_wait3A_117 = arith.constant 0 : i32
    %dma_wait3A_118 = arith.constant 0 : i32
    %dma_wait3A_119 = tpu.memref_slice %arg5[%dma_wait3A_116, %dma_wait3A_117, %dma_wait3A_118] : memref<2x256x128xf32, #tpu.memory_space<vmem>> -> memref<1x128x128xf32, #tpu.memory_space<vmem>>
    %dma_wait3A_120 = tpu.memref_squeeze %dma_wait3A_119 : memref<1x128x128xf32, #tpu.memory_space<vmem>> -> memref<128x128xf32, #tpu.memory_space<vmem>>
    %dma_wait3A_121 = arith.constant 0 : i32
    %dma_wait3A_122 = tpu.memref_slice %arg6[%dma_wait3A_114, %dma_wait3A_115, %dma_wait3A_121] : memref<3x2x128xi32, #tpu.memory_space<vmem>> -> memref<1x1x128xi32, #tpu.memory_space<vmem>>
    %dma_wait3A_123 = tpu.memref_squeeze %dma_wait3A_122 : memref<1x1x128xi32, #tpu.memory_space<vmem>> -> memref<128xi32, #tpu.memory_space<vmem>>
    %dma_wait3A_124 = arith.constant 0 : i32
    %dma_wait3A_125 = arith.constant 0 : i32
    %dma_wait3A_126 = tpu.memref_slice %arg3[%dma_wait3A_124, %dma_wait3A_125] : memref<100000x128xf32, #tpu.memory_space<hbm>> -> memref<100000x128xf32, #tpu.memory_space<hbm>>
    tpu.wait_indirect_dma semaphore(%arg7 : memref<!tpu.dma_semaphore, #tpu.memory_space<semaphore_mem>>) src(%dma_wait3A_126 : memref<100000x128xf32, #tpu.memory_space<hbm>>) dst(%dma_wait3A_120 : memref<128x128xf32, #tpu.memory_space<vmem>>)
    %dma_wait3A_127 = arith.constant 0 : i32
    %dma_wait3A_128 = arith.constant 1 : i32
    %dma_wait3A_129 = arith.constant 0 : i32
    %dma_wait3A_130 = arith.constant 128 : i32
    %dma_wait3A_131 = arith.constant 0 : i32
    %dma_wait3A_132 = tpu.memref_slice %arg5[%dma_wait3A_129, %dma_wait3A_130, %dma_wait3A_131] : memref<2x256x128xf32, #tpu.memory_space<vmem>> -> memref<1x128x128xf32, #tpu.memory_space<vmem>>
    %dma_wait3A_133 = tpu.memref_squeeze %dma_wait3A_132 : memref<1x128x128xf32, #tpu.memory_space<vmem>> -> memref<128x128xf32, #tpu.memory_space<vmem>>
    %dma_wait3A_134 = arith.constant 0 : i32
    %dma_wait3A_135 = tpu.memref_slice %arg6[%dma_wait3A_127, %dma_wait3A_128, %dma_wait3A_134] : memref<3x2x128xi32, #tpu.memory_space<vmem>> -> memref<1x1x128xi32, #tpu.memory_space<vmem>>
    %dma_wait3A_136 = tpu.memref_squeeze %dma_wait3A_135 : memref<1x1x128xi32, #tpu.memory_space<vmem>> -> memref<128xi32, #tpu.memory_space<vmem>>
    %dma_wait3A_137 = arith.constant 0 : i32
    %dma_wait3A_138 = arith.constant 0 : i32
    %dma_wait3A_139 = tpu.memref_slice %arg3[%dma_wait3A_137, %dma_wait3A_138] : memref<100000x128xf32, #tpu.memory_space<hbm>> -> memref<100000x128xf32, #tpu.memory_space<hbm>>
    tpu.wait_indirect_dma semaphore(%arg7 : memref<!tpu.dma_semaphore, #tpu.memory_space<semaphore_mem>>) src(%dma_wait3A_139 : memref<100000x128xf32, #tpu.memory_space<hbm>>) dst(%dma_wait3A_133 : memref<128x128xf32, #tpu.memory_space<vmem>>)
    %add3A_140 = arith.constant 3 : i32
    %add3A_141 = arith.addi %mul3A_6, %add3A_140 : i32
    %dma_start3A_142 = arith.constant 0 : i32
    %dma_start3A_143 = arith.constant 0 : i32
    %dma_start3A_144 = arith.constant 0 : i32
    %dma_start3A_145 = tpu.memref_slice %arg6[%dma_start3A_142, %dma_start3A_143, %dma_start3A_144] : memref<3x2x128xi32, #tpu.memory_space<vmem>> -> memref<1x2x128xi32, #tpu.memory_space<vmem>>
    %dma_start3A_146 = tpu.memref_squeeze %dma_start3A_145 : memref<1x2x128xi32, #tpu.memory_space<vmem>> -> memref<2x128xi32, #tpu.memory_space<vmem>>
    %dma_start3A_147 = arith.constant 0 : i32
    %dma_start3A_148 = arith.constant 0 : i32
    %dma_start3A_149 = tpu.memref_slice %arg2[%add3A_141, %dma_start3A_147, %dma_start3A_148] : memref<12800x2x128xi32, #tpu.memory_space<hbm>> -> memref<1x2x128xi32, #tpu.memory_space<hbm>>
    %dma_start3A_150 = tpu.memref_squeeze %dma_start3A_149 : memref<1x2x128xi32, #tpu.memory_space<hbm>> -> memref<2x128xi32, #tpu.memory_space<hbm>>
    %dma_start3A_151 = arith.constant 0 : i32
    %dma_start3A_152 = arith.constant 0 : i32
    %dma_start3A_153 = tpu.memref_slice %arg6[%dma_start3A_142, %dma_start3A_151, %dma_start3A_152] : memref<3x2x128xi32, #tpu.memory_space<vmem>> -> memref<1x2x128xi32, #tpu.memory_space<vmem>>
    %dma_start3A_154 = tpu.memref_squeeze %dma_start3A_153 : memref<1x2x128xi32, #tpu.memory_space<vmem>> -> memref<2x128xi32, #tpu.memory_space<vmem>>
    %dma_start3A_155 = arith.constant 0 : i32
    %dma_start3A_156 = arith.constant 0 : i32
    %dma_start3A_157 = tpu.memref_slice %arg2[%add3A_141, %dma_start3A_155, %dma_start3A_156] : memref<12800x2x128xi32, #tpu.memory_space<hbm>> -> memref<1x2x128xi32, #tpu.memory_space<hbm>>
    %dma_start3A_158 = tpu.memref_squeeze %dma_start3A_157 : memref<1x2x128xi32, #tpu.memory_space<hbm>> -> memref<2x128xi32, #tpu.memory_space<hbm>>
    tpu.enqueue_dma source(%dma_start3A_158 : memref<2x128xi32, #tpu.memory_space<hbm>>) target(%dma_start3A_154 : memref<2x128xi32, #tpu.memory_space<vmem>>) target_semaphore(%arg8 : memref<!tpu.dma_semaphore, #tpu.memory_space<semaphore_mem>>)
    %scan3A = arith.constant 0 : i32
    %scan3A_159 = arith.constant 2 : i32
    %scan3A_160 = arith.constant 198 : i32
    %scan3A_161 = arith.addi %scan3A_159, %scan3A_160 : i32
    %scan3A_162 = arith.constant 1 : i32
    scf.for %scan3A_399 = %scan3A_159 to %scan3A_161 step %scan3A_162  : i32 {
      %rem3A = arith.constant 3 : i32
      %rem3A_400 = arith.remsi %scan3A_399, %rem3A : i32
      %rem3A_401 = arith.constant 2 : i32
      %rem3A_402 = arith.remsi %scan3A_399, %rem3A_401 : i32
      %add3A_403 = arith.addi %mul3A_6, %scan3A_399 : i32
      %dma_wait3A_404 = arith.constant 0 : i32
      %dma_wait3A_405 = arith.constant 0 : i32
      %dma_wait3A_406 = tpu.memref_slice %arg6[%rem3A_400, %dma_wait3A_404, %dma_wait3A_405] : memref<3x2x128xi32, #tpu.memory_space<vmem>> -> memref<1x2x128xi32, #tpu.memory_space<vmem>>
      %dma_wait3A_407 = tpu.memref_squeeze %dma_wait3A_406 : memref<1x2x128xi32, #tpu.memory_space<vmem>> -> memref<2x128xi32, #tpu.memory_space<vmem>>
      %dma_wait3A_408 = arith.constant 0 : i32
      %dma_wait3A_409 = arith.constant 0 : i32
      %dma_wait3A_410 = tpu.memref_slice %arg2[%add3A_403, %dma_wait3A_408, %dma_wait3A_409] : memref<12800x2x128xi32, #tpu.memory_space<hbm>> -> memref<1x2x128xi32, #tpu.memory_space<hbm>>
      %dma_wait3A_411 = tpu.memref_squeeze %dma_wait3A_410 : memref<1x2x128xi32, #tpu.memory_space<hbm>> -> memref<2x128xi32, #tpu.memory_space<hbm>>
      %dma_wait3A_412 = arith.constant 0 : i32
      %dma_wait3A_413 = arith.constant 0 : i32
      %dma_wait3A_414 = tpu.memref_slice %arg6[%rem3A_400, %dma_wait3A_412, %dma_wait3A_413] : memref<3x2x128xi32, #tpu.memory_space<vmem>> -> memref<1x2x128xi32, #tpu.memory_space<vmem>>
      %dma_wait3A_415 = tpu.memref_squeeze %dma_wait3A_414 : memref<1x2x128xi32, #tpu.memory_space<vmem>> -> memref<2x128xi32, #tpu.memory_space<vmem>>
      %dma_wait3A_416 = arith.constant 0 : i32
      %dma_wait3A_417 = arith.constant 0 : i32
      %dma_wait3A_418 = tpu.memref_slice %arg2[%add3A_403, %dma_wait3A_416, %dma_wait3A_417] : memref<12800x2x128xi32, #tpu.memory_space<hbm>> -> memref<1x2x128xi32, #tpu.memory_space<hbm>>
      %dma_wait3A_419 = tpu.memref_squeeze %dma_wait3A_418 : memref<1x2x128xi32, #tpu.memory_space<hbm>> -> memref<2x128xi32, #tpu.memory_space<hbm>>
      tpu.wait_dma2 semaphore(%arg8 : memref<!tpu.dma_semaphore, #tpu.memory_space<semaphore_mem>>) src(%dma_wait3A_419 : memref<2x128xi32, #tpu.memory_space<hbm>>) dst(%dma_wait3A_415 : memref<2x128xi32, #tpu.memory_space<vmem>>)
      %dma_start3A_420 = arith.constant 0 : i32
      %dma_start3A_421 = arith.constant 0 : i32
      %dma_start3A_422 = arith.constant 0 : i32
      %dma_start3A_423 = tpu.memref_slice %arg5[%rem3A_402, %dma_start3A_421, %dma_start3A_422] : memref<2x256x128xf32, #tpu.memory_space<vmem>> -> memref<1x128x128xf32, #tpu.memory_space<vmem>>
      %dma_start3A_424 = tpu.memref_squeeze %dma_start3A_423 : memref<1x128x128xf32, #tpu.memory_space<vmem>> -> memref<128x128xf32, #tpu.memory_space<vmem>>
      %dma_start3A_425 = arith.constant 0 : i32
      %dma_start3A_426 = tpu.memref_slice %arg6[%rem3A_400, %dma_start3A_420, %dma_start3A_425] : memref<3x2x128xi32, #tpu.memory_space<vmem>> -> memref<1x1x128xi32, #tpu.memory_space<vmem>>
      %dma_start3A_427 = tpu.memref_squeeze %dma_start3A_426 : memref<1x1x128xi32, #tpu.memory_space<vmem>> -> memref<128xi32, #tpu.memory_space<vmem>>
      %dma_start3A_428 = arith.constant 0 : i32
      %dma_start3A_429 = arith.constant 0 : i32
      %dma_start3A_430 = tpu.memref_slice %arg3[%dma_start3A_428, %dma_start3A_429] : memref<100000x128xf32, #tpu.memory_space<hbm>> -> memref<100000x128xf32, #tpu.memory_space<hbm>>
      tpu.enqueue_indirect_dma source(%dma_start3A_430 : memref<100000x128xf32, #tpu.memory_space<hbm>>) target(%dma_start3A_424 : memref<128x128xf32, #tpu.memory_space<vmem>>) offsets(%dma_start3A_427 : memref<128xi32, #tpu.memory_space<vmem>>) semaphore(%arg7 : memref<!tpu.dma_semaphore, #tpu.memory_space<semaphore_mem>>) {add = true}
      %dma_start3A_431 = arith.constant 1 : i32
      %dma_start3A_432 = arith.constant 128 : i32
      %dma_start3A_433 = arith.constant 0 : i32
      %dma_start3A_434 = tpu.memref_slice %arg5[%rem3A_402, %dma_start3A_432, %dma_start3A_433] : memref<2x256x128xf32, #tpu.memory_space<vmem>> -> memref<1x128x128xf32, #tpu.memory_space<vmem>>
      %dma_start3A_435 = tpu.memref_squeeze %dma_start3A_434 : memref<1x128x128xf32, #tpu.memory_space<vmem>> -> memref<128x128xf32, #tpu.memory_space<vmem>>
      %dma_start3A_436 = arith.constant 0 : i32
      %dma_start3A_437 = tpu.memref_slice %arg6[%rem3A_400, %dma_start3A_431, %dma_start3A_436] : memref<3x2x128xi32, #tpu.memory_space<vmem>> -> memref<1x1x128xi32, #tpu.memory_space<vmem>>
      %dma_start3A_438 = tpu.memref_squeeze %dma_start3A_437 : memref<1x1x128xi32, #tpu.memory_space<vmem>> -> memref<128xi32, #tpu.memory_space<vmem>>
      %dma_start3A_439 = arith.constant 0 : i32
      %dma_start3A_440 = arith.constant 0 : i32
      %dma_start3A_441 = tpu.memref_slice %arg3[%dma_start3A_439, %dma_start3A_440] : memref<100000x128xf32, #tpu.memory_space<hbm>> -> memref<100000x128xf32, #tpu.memory_space<hbm>>
      tpu.enqueue_indirect_dma source(%dma_start3A_441 : memref<100000x128xf32, #tpu.memory_space<hbm>>) target(%dma_start3A_435 : memref<128x128xf32, #tpu.memory_space<vmem>>) offsets(%dma_start3A_438 : memref<128xi32, #tpu.memory_space<vmem>>) semaphore(%arg7 : memref<!tpu.dma_semaphore, #tpu.memory_space<semaphore_mem>>) {add = true}
      %dma_wait3A_442 = arith.constant 0 : i32
      %dma_wait3A_443 = arith.constant 0 : i32
      %dma_wait3A_444 = arith.constant 0 : i32
      %dma_wait3A_445 = arith.constant 0 : i32
      %dma_wait3A_446 = arith.constant 0 : i32
      %dma_wait3A_447 = tpu.memref_slice %arg5[%dma_wait3A_444, %dma_wait3A_445, %dma_wait3A_446] : memref<2x256x128xf32, #tpu.memory_space<vmem>> -> memref<1x128x128xf32, #tpu.memory_space<vmem>>
      %dma_wait3A_448 = tpu.memref_squeeze %dma_wait3A_447 : memref<1x128x128xf32, #tpu.memory_space<vmem>> -> memref<128x128xf32, #tpu.memory_space<vmem>>
      %dma_wait3A_449 = arith.constant 0 : i32
      %dma_wait3A_450 = tpu.memref_slice %arg6[%dma_wait3A_442, %dma_wait3A_443, %dma_wait3A_449] : memref<3x2x128xi32, #tpu.memory_space<vmem>> -> memref<1x1x128xi32, #tpu.memory_space<vmem>>
      %dma_wait3A_451 = tpu.memref_squeeze %dma_wait3A_450 : memref<1x1x128xi32, #tpu.memory_space<vmem>> -> memref<128xi32, #tpu.memory_space<vmem>>
      %dma_wait3A_452 = arith.constant 0 : i32
      %dma_wait3A_453 = arith.constant 0 : i32
      %dma_wait3A_454 = tpu.memref_slice %arg3[%dma_wait3A_452, %dma_wait3A_453] : memref<100000x128xf32, #tpu.memory_space<hbm>> -> memref<100000x128xf32, #tpu.memory_space<hbm>>
      tpu.wait_indirect_dma semaphore(%arg7 : memref<!tpu.dma_semaphore, #tpu.memory_space<semaphore_mem>>) src(%dma_wait3A_454 : memref<100000x128xf32, #tpu.memory_space<hbm>>) dst(%dma_wait3A_448 : memref<128x128xf32, #tpu.memory_space<vmem>>)
      %dma_wait3A_455 = arith.constant 0 : i32
      %dma_wait3A_456 = arith.constant 1 : i32
      %dma_wait3A_457 = arith.constant 0 : i32
      %dma_wait3A_458 = arith.constant 128 : i32
      %dma_wait3A_459 = arith.constant 0 : i32
      %dma_wait3A_460 = tpu.memref_slice %arg5[%dma_wait3A_457, %dma_wait3A_458, %dma_wait3A_459] : memref<2x256x128xf32, #tpu.memory_space<vmem>> -> memref<1x128x128xf32, #tpu.memory_space<vmem>>
      %dma_wait3A_461 = tpu.memref_squeeze %dma_wait3A_460 : memref<1x128x128xf32, #tpu.memory_space<vmem>> -> memref<128x128xf32, #tpu.memory_space<vmem>>
      %dma_wait3A_462 = arith.constant 0 : i32
      %dma_wait3A_463 = tpu.memref_slice %arg6[%dma_wait3A_455, %dma_wait3A_456, %dma_wait3A_462] : memref<3x2x128xi32, #tpu.memory_space<vmem>> -> memref<1x1x128xi32, #tpu.memory_space<vmem>>
      %dma_wait3A_464 = tpu.memref_squeeze %dma_wait3A_463 : memref<1x1x128xi32, #tpu.memory_space<vmem>> -> memref<128xi32, #tpu.memory_space<vmem>>
      %dma_wait3A_465 = arith.constant 0 : i32
      %dma_wait3A_466 = arith.constant 0 : i32
      %dma_wait3A_467 = tpu.memref_slice %arg3[%dma_wait3A_465, %dma_wait3A_466] : memref<100000x128xf32, #tpu.memory_space<hbm>> -> memref<100000x128xf32, #tpu.memory_space<hbm>>
      tpu.wait_indirect_dma semaphore(%arg7 : memref<!tpu.dma_semaphore, #tpu.memory_space<semaphore_mem>>) src(%dma_wait3A_467 : memref<100000x128xf32, #tpu.memory_space<hbm>>) dst(%dma_wait3A_461 : memref<128x128xf32, #tpu.memory_space<vmem>>)
      %lt3A = arith.constant 198 : i32
      %lt3A_468 = arith.cmpi slt, %scan3A_399, %lt3A : i32
      %convert_element_type3A = arith.extui %lt3A_468 : i1 to i32
      %cond3A = arith.constant 0 : i32
      %cond3A_469 = arith.cmpi ne, %convert_element_type3A, %cond3A : i32
      scf.if %cond3A_469 {
        %add3A_470 = arith.addi %mul3A_6, %scan3A_399 : i32
        %add3A_471 = arith.constant 2 : i32
        %add3A_472 = arith.addi %add3A_470, %add3A_471 : i32
        %add3A_473 = arith.constant 2 : i32
        %add3A_474 = arith.addi %scan3A_399, %add3A_473 : i32
        %rem3A_475 = arith.constant 3 : i32
        %rem3A_476 = arith.remsi %add3A_474, %rem3A_475 : i32
        %dma_start3A_477 = arith.constant 0 : i32
        %dma_start3A_478 = arith.constant 0 : i32
        %dma_start3A_479 = tpu.memref_slice %arg6[%rem3A_476, %dma_start3A_477, %dma_start3A_478] : memref<3x2x128xi32, #tpu.memory_space<vmem>> -> memref<1x2x128xi32, #tpu.memory_space<vmem>>
        %dma_start3A_480 = tpu.memref_squeeze %dma_start3A_479 : memref<1x2x128xi32, #tpu.memory_space<vmem>> -> memref<2x128xi32, #tpu.memory_space<vmem>>
        %dma_start3A_481 = arith.constant 0 : i32
        %dma_start3A_482 = arith.constant 0 : i32
        %dma_start3A_483 = tpu.memref_slice %arg2[%add3A_472, %dma_start3A_481, %dma_start3A_482] : memref<12800x2x128xi32, #tpu.memory_space<hbm>> -> memref<1x2x128xi32, #tpu.memory_space<hbm>>
        %dma_start3A_484 = tpu.memref_squeeze %dma_start3A_483 : memref<1x2x128xi32, #tpu.memory_space<hbm>> -> memref<2x128xi32, #tpu.memory_space<hbm>>
        %dma_start3A_485 = arith.constant 0 : i32
        %dma_start3A_486 = arith.constant 0 : i32
        %dma_start3A_487 = tpu.memref_slice %arg6[%rem3A_476, %dma_start3A_485, %dma_start3A_486] : memref<3x2x128xi32, #tpu.memory_space<vmem>> -> memref<1x2x128xi32, #tpu.memory_space<vmem>>
        %dma_start3A_488 = tpu.memref_squeeze %dma_start3A_487 : memref<1x2x128xi32, #tpu.memory_space<vmem>> -> memref<2x128xi32, #tpu.memory_space<vmem>>
        %dma_start3A_489 = arith.constant 0 : i32
        %dma_start3A_490 = arith.constant 0 : i32
        %dma_start3A_491 = tpu.memref_slice %arg2[%add3A_472, %dma_start3A_489, %dma_start3A_490] : memref<12800x2x128xi32, #tpu.memory_space<hbm>> -> memref<1x2x128xi32, #tpu.memory_space<hbm>>
        %dma_start3A_492 = tpu.memref_squeeze %dma_start3A_491 : memref<1x2x128xi32, #tpu.memory_space<hbm>> -> memref<2x128xi32, #tpu.memory_space<hbm>>
        tpu.enqueue_dma source(%dma_start3A_492 : memref<2x128xi32, #tpu.memory_space<hbm>>) target(%dma_start3A_488 : memref<2x128xi32, #tpu.memory_space<vmem>>) target_semaphore(%arg8 : memref<!tpu.dma_semaphore, #tpu.memory_space<semaphore_mem>>)
      } else {
      }
    }
    %scan3A_163 = arith.constant 198 : i32
    %dma_wait3A_164 = arith.constant 0 : i32
    %dma_wait3A_165 = arith.constant 0 : i32
    %dma_wait3A_166 = arith.constant 0 : i32
    %dma_wait3A_167 = arith.constant 0 : i32
    %dma_wait3A_168 = arith.constant 0 : i32
    %dma_wait3A_169 = tpu.memref_slice %arg5[%dma_wait3A_166, %dma_wait3A_167, %dma_wait3A_168] : memref<2x256x128xf32, #tpu.memory_space<vmem>> -> memref<1x128x128xf32, #tpu.memory_space<vmem>>
    %dma_wait3A_170 = tpu.memref_squeeze %dma_wait3A_169 : memref<1x128x128xf32, #tpu.memory_space<vmem>> -> memref<128x128xf32, #tpu.memory_space<vmem>>
    %dma_wait3A_171 = arith.constant 0 : i32
    %dma_wait3A_172 = tpu.memref_slice %arg6[%dma_wait3A_164, %dma_wait3A_165, %dma_wait3A_171] : memref<3x2x128xi32, #tpu.memory_space<vmem>> -> memref<1x1x128xi32, #tpu.memory_space<vmem>>
    %dma_wait3A_173 = tpu.memref_squeeze %dma_wait3A_172 : memref<1x1x128xi32, #tpu.memory_space<vmem>> -> memref<128xi32, #tpu.memory_space<vmem>>
    %dma_wait3A_174 = arith.constant 0 : i32
    %dma_wait3A_175 = arith.constant 0 : i32
    %dma_wait3A_176 = tpu.memref_slice %arg3[%dma_wait3A_174, %dma_wait3A_175] : memref<100000x128xf32, #tpu.memory_space<hbm>> -> memref<100000x128xf32, #tpu.memory_space<hbm>>
    tpu.wait_indirect_dma semaphore(%arg7 : memref<!tpu.dma_semaphore, #tpu.memory_space<semaphore_mem>>) src(%dma_wait3A_176 : memref<100000x128xf32, #tpu.memory_space<hbm>>) dst(%dma_wait3A_170 : memref<128x128xf32, #tpu.memory_space<vmem>>)
    %dma_wait3A_177 = arith.constant 0 : i32
    %dma_wait3A_178 = arith.constant 1 : i32
    %dma_wait3A_179 = arith.constant 0 : i32
    %dma_wait3A_180 = arith.constant 128 : i32
    %dma_wait3A_181 = arith.constant 0 : i32
    %dma_wait3A_182 = tpu.memref_slice %arg5[%dma_wait3A_179, %dma_wait3A_180, %dma_wait3A_181] : memref<2x256x128xf32, #tpu.memory_space<vmem>> -> memref<1x128x128xf32, #tpu.memory_space<vmem>>
    %dma_wait3A_183 = tpu.memref_squeeze %dma_wait3A_182 : memref<1x128x128xf32, #tpu.memory_space<vmem>> -> memref<128x128xf32, #tpu.memory_space<vmem>>
    %dma_wait3A_184 = arith.constant 0 : i32
    %dma_wait3A_185 = tpu.memref_slice %arg6[%dma_wait3A_177, %dma_wait3A_178, %dma_wait3A_184] : memref<3x2x128xi32, #tpu.memory_space<vmem>> -> memref<1x1x128xi32, #tpu.memory_space<vmem>>
    %dma_wait3A_186 = tpu.memref_squeeze %dma_wait3A_185 : memref<1x1x128xi32, #tpu.memory_space<vmem>> -> memref<128xi32, #tpu.memory_space<vmem>>
    %dma_wait3A_187 = arith.constant 0 : i32
    %dma_wait3A_188 = arith.constant 0 : i32
    %dma_wait3A_189 = tpu.memref_slice %arg3[%dma_wait3A_187, %dma_wait3A_188] : memref<100000x128xf32, #tpu.memory_space<hbm>> -> memref<100000x128xf32, #tpu.memory_space<hbm>>
    tpu.wait_indirect_dma semaphore(%arg7 : memref<!tpu.dma_semaphore, #tpu.memory_space<semaphore_mem>>) src(%dma_wait3A_189 : memref<100000x128xf32, #tpu.memory_space<hbm>>) dst(%dma_wait3A_183 : memref<128x128xf32, #tpu.memory_space<vmem>>)
    %mul3A_190 = arith.constant 512 : i32
    %mul3A_191 = arith.muli %add3A, %mul3A_190 : i32
    %add3A_192 = arith.constant 0 : i32
    %add3A_193 = arith.addi %mul3A_191, %add3A_192 : i32
    %run_scoped3A_194 = arith.constant 0 : i32
    %run_scoped3A_195 = arith.constant 0 : i32
    "tpu.region"() ({
      %run_scoped3A_399 = tpu.sem_alloc : memref<!tpu.dma_semaphore, #tpu.memory_space<semaphore_mem>>
      %dma_start3A_400 = arith.constant 0 : i32
      %dma_start3A_401 = arith.constant 0 : i32
      %dma_start3A_402 = tpu.memref_slice %arg5[%run_scoped3A_194, %dma_start3A_400, %dma_start3A_401] : memref<2x256x128xf32, #tpu.memory_space<vmem>> -> memref<1x256x128xf32, #tpu.memory_space<vmem>>
      %dma_start3A_403 = tpu.memref_squeeze %dma_start3A_402 : memref<1x256x128xf32, #tpu.memory_space<vmem>> -> memref<256x128xf32, #tpu.memory_space<vmem>>
      %dma_start3A_404 = arith.constant 0 : i32
      %dma_start3A_405 = tpu.memref_slice %arg4[%run_scoped3A_195, %add3A_193, %dma_start3A_404] : memref<2x16384x128xf32, #tpu.memory_space<hbm>> -> memref<1x256x128xf32, #tpu.memory_space<hbm>>
      %dma_start3A_406 = tpu.memref_squeeze %dma_start3A_405 : memref<1x256x128xf32, #tpu.memory_space<hbm>> -> memref<256x128xf32, #tpu.memory_space<hbm>>
      %dma_start3A_407 = arith.constant 0 : i32
      %dma_start3A_408 = tpu.memref_slice %arg4[%run_scoped3A_195, %add3A_193, %dma_start3A_407] : memref<2x16384x128xf32, #tpu.memory_space<hbm>> -> memref<1x256x128xf32, #tpu.memory_space<hbm>>
      %dma_start3A_409 = tpu.memref_squeeze %dma_start3A_408 : memref<1x256x128xf32, #tpu.memory_space<hbm>> -> memref<256x128xf32, #tpu.memory_space<hbm>>
      %dma_start3A_410 = arith.constant 0 : i32
      %dma_start3A_411 = arith.constant 0 : i32
      %dma_start3A_412 = tpu.memref_slice %arg5[%run_scoped3A_194, %dma_start3A_410, %dma_start3A_411] : memref<2x256x128xf32, #tpu.memory_space<vmem>> -> memref<1x256x128xf32, #tpu.memory_space<vmem>>
      %dma_start3A_413 = tpu.memref_squeeze %dma_start3A_412 : memref<1x256x128xf32, #tpu.memory_space<vmem>> -> memref<256x128xf32, #tpu.memory_space<vmem>>
      tpu.enqueue_dma source(%dma_start3A_413 : memref<256x128xf32, #tpu.memory_space<vmem>>) target(%dma_start3A_409 : memref<256x128xf32, #tpu.memory_space<hbm>>) target_semaphore(%run_scoped3A_399 : memref<!tpu.dma_semaphore, #tpu.memory_space<semaphore_mem>>)
      %dma_wait3A_414 = arith.constant 0 : i32
      %dma_wait3A_415 = arith.constant 0 : i32
      %dma_wait3A_416 = tpu.memref_slice %arg5[%run_scoped3A_194, %dma_wait3A_414, %dma_wait3A_415] : memref<2x256x128xf32, #tpu.memory_space<vmem>> -> memref<1x256x128xf32, #tpu.memory_space<vmem>>
      %dma_wait3A_417 = tpu.memref_squeeze %dma_wait3A_416 : memref<1x256x128xf32, #tpu.memory_space<vmem>> -> memref<256x128xf32, #tpu.memory_space<vmem>>
      %dma_wait3A_418 = arith.constant 0 : i32
      %dma_wait3A_419 = tpu.memref_slice %arg4[%run_scoped3A_195, %add3A_193, %dma_wait3A_418] : memref<2x16384x128xf32, #tpu.memory_space<hbm>> -> memref<1x256x128xf32, #tpu.memory_space<hbm>>
      %dma_wait3A_420 = tpu.memref_squeeze %dma_wait3A_419 : memref<1x256x128xf32, #tpu.memory_space<hbm>> -> memref<256x128xf32, #tpu.memory_space<hbm>>
      %dma_wait3A_421 = arith.constant 0 : i32
      %dma_wait3A_422 = tpu.memref_slice %arg4[%run_scoped3A_195, %add3A_193, %dma_wait3A_421] : memref<2x16384x128xf32, #tpu.memory_space<hbm>> -> memref<1x256x128xf32, #tpu.memory_space<hbm>>
      %dma_wait3A_423 = tpu.memref_squeeze %dma_wait3A_422 : memref<1x256x128xf32, #tpu.memory_space<hbm>> -> memref<256x128xf32, #tpu.memory_space<hbm>>
      %dma_wait3A_424 = arith.constant 0 : i32
      %dma_wait3A_425 = arith.constant 0 : i32
      %dma_wait3A_426 = tpu.memref_slice %arg5[%run_scoped3A_194, %dma_wait3A_424, %dma_wait3A_425] : memref<2x256x128xf32, #tpu.memory_space<vmem>> -> memref<1x256x128xf32, #tpu.memory_space<vmem>>
      %dma_wait3A_427 = tpu.memref_squeeze %dma_wait3A_426 : memref<1x256x128xf32, #tpu.memory_space<vmem>> -> memref<256x128xf32, #tpu.memory_space<vmem>>
      tpu.wait_dma2 semaphore(%run_scoped3A_399 : memref<!tpu.dma_semaphore, #tpu.memory_space<semaphore_mem>>) src(%dma_wait3A_427 : memref<256x128xf32, #tpu.memory_space<vmem>>) dst(%dma_wait3A_423 : memref<256x128xf32, #tpu.memory_space<hbm>>)
      tpu.yield
    }) : () -> ()
    %run_scoped3A_196 = arith.constant 1 : i32
    %run_scoped3A_197 = arith.constant 1 : i32
    "tpu.region"() ({
      %run_scoped3A_399 = tpu.sem_alloc : memref<!tpu.dma_semaphore, #tpu.memory_space<semaphore_mem>>
      %dma_start3A_400 = arith.constant 0 : i32
      %dma_start3A_401 = arith.constant 0 : i32
      %dma_start3A_402 = tpu.memref_slice %arg5[%run_scoped3A_196, %dma_start3A_400, %dma_start3A_401] : memref<2x256x128xf32, #tpu.memory_space<vmem>> -> memref<1x256x128xf32, #tpu.memory_space<vmem>>
      %dma_start3A_403 = tpu.memref_squeeze %dma_start3A_402 : memref<1x256x128xf32, #tpu.memory_space<vmem>> -> memref<256x128xf32, #tpu.memory_space<vmem>>
      %dma_start3A_404 = arith.constant 0 : i32
      %dma_start3A_405 = tpu.memref_slice %arg4[%run_scoped3A_197, %add3A_193, %dma_start3A_404] : memref<2x16384x128xf32, #tpu.memory_space<hbm>> -> memref<1x256x128xf32, #tpu.memory_space<hbm>>
      %dma_start3A_406 = tpu.memref_squeeze %dma_start3A_405 : memref<1x256x128xf32, #tpu.memory_space<hbm>> -> memref<256x128xf32, #tpu.memory_space<hbm>>
      %dma_start3A_407 = arith.constant 0 : i32
      %dma_start3A_408 = tpu.memref_slice %arg4[%run_scoped3A_197, %add3A_193, %dma_start3A_407] : memref<2x16384x128xf32, #tpu.memory_space<hbm>> -> memref<1x256x128xf32, #tpu.memory_space<hbm>>
      %dma_start3A_409 = tpu.memref_squeeze %dma_start3A_408 : memref<1x256x128xf32, #tpu.memory_space<hbm>> -> memref<256x128xf32, #tpu.memory_space<hbm>>
      %dma_start3A_410 = arith.constant 0 : i32
      %dma_start3A_411 = arith.constant 0 : i32
      %dma_start3A_412 = tpu.memref_slice %arg5[%run_scoped3A_196, %dma_start3A_410, %dma_start3A_411] : memref<2x256x128xf32, #tpu.memory_space<vmem>> -> memref<1x256x128xf32, #tpu.memory_space<vmem>>
      %dma_start3A_413 = tpu.memref_squeeze %dma_start3A_412 : memref<1x256x128xf32, #tpu.memory_space<vmem>> -> memref<256x128xf32, #tpu.memory_space<vmem>>
      tpu.enqueue_dma source(%dma_start3A_413 : memref<256x128xf32, #tpu.memory_space<vmem>>) target(%dma_start3A_409 : memref<256x128xf32, #tpu.memory_space<hbm>>) target_semaphore(%run_scoped3A_399 : memref<!tpu.dma_semaphore, #tpu.memory_space<semaphore_mem>>)
      %dma_wait3A_414 = arith.constant 0 : i32
      %dma_wait3A_415 = arith.constant 0 : i32
      %dma_wait3A_416 = tpu.memref_slice %arg5[%run_scoped3A_196, %dma_wait3A_414, %dma_wait3A_415] : memref<2x256x128xf32, #tpu.memory_space<vmem>> -> memref<1x256x128xf32, #tpu.memory_space<vmem>>
      %dma_wait3A_417 = tpu.memref_squeeze %dma_wait3A_416 : memref<1x256x128xf32, #tpu.memory_space<vmem>> -> memref<256x128xf32, #tpu.memory_space<vmem>>
      %dma_wait3A_418 = arith.constant 0 : i32
      %dma_wait3A_419 = tpu.memref_slice %arg4[%run_scoped3A_197, %add3A_193, %dma_wait3A_418] : memref<2x16384x128xf32, #tpu.memory_space<hbm>> -> memref<1x256x128xf32, #tpu.memory_space<hbm>>
      %dma_wait3A_420 = tpu.memref_squeeze %dma_wait3A_419 : memref<1x256x128xf32, #tpu.memory_space<hbm>> -> memref<256x128xf32, #tpu.memory_space<hbm>>
      %dma_wait3A_421 = arith.constant 0 : i32
      %dma_wait3A_422 = tpu.memref_slice %arg4[%run_scoped3A_197, %add3A_193, %dma_wait3A_421] : memref<2x16384x128xf32, #tpu.memory_space<hbm>> -> memref<1x256x128xf32, #tpu.memory_space<hbm>>
      %dma_wait3A_423 = tpu.memref_squeeze %dma_wait3A_422 : memref<1x256x128xf32, #tpu.memory_space<hbm>> -> memref<256x128xf32, #tpu.memory_space<hbm>>
      %dma_wait3A_424 = arith.constant 0 : i32
      %dma_wait3A_425 = arith.constant 0 : i32
      %dma_wait3A_426 = tpu.memref_slice %arg5[%run_scoped3A_196, %dma_wait3A_424, %dma_wait3A_425] : memref<2x256x128xf32, #tpu.memory_space<vmem>> -> memref<1x256x128xf32, #tpu.memory_space<vmem>>
      %dma_wait3A_427 = tpu.memref_squeeze %dma_wait3A_426 : memref<1x256x128xf32, #tpu.memory_space<vmem>> -> memref<256x128xf32, #tpu.memory_space<vmem>>
      tpu.wait_dma2 semaphore(%run_scoped3A_399 : memref<!tpu.dma_semaphore, #tpu.memory_space<semaphore_mem>>) src(%dma_wait3A_427 : memref<256x128xf32, #tpu.memory_space<vmem>>) dst(%dma_wait3A_423 : memref<256x128xf32, #tpu.memory_space<hbm>>)
      tpu.yield
    }) : () -> ()
    %mul3A_198 = arith.constant 2 : i32
    %mul3A_199 = arith.muli %add3A, %mul3A_198 : i32
    %add3A_200 = arith.constant 1 : i32
    %add3A_201 = arith.addi %mul3A_199, %add3A_200 : i32
    %mul3A_202 = arith.constant 200 : i32
    %mul3A_203 = arith.muli %add3A_201, %mul3A_202 : i32
    %run_scoped3A_204 = arith.constant 0 : i32
    "tpu.region"() ({
      %run_scoped3A_399 = tpu.sem_alloc : memref<!tpu.dma_semaphore, #tpu.memory_space<semaphore_mem>>
      %dma_start3A_400 = arith.constant 0 : i32
      %dma_start3A_401 = arith.constant 0 : i32
      %dma_start3A_402 = tpu.memref_slice %arg6[%run_scoped3A_204, %dma_start3A_400, %dma_start3A_401] : memref<3x2x128xi32, #tpu.memory_space<vmem>> -> memref<1x2x128xi32, #tpu.memory_space<vmem>>
      %dma_start3A_403 = tpu.memref_squeeze %dma_start3A_402 : memref<1x2x128xi32, #tpu.memory_space<vmem>> -> memref<2x128xi32, #tpu.memory_space<vmem>>
      %dma_start3A_404 = arith.constant 0 : i32
      %dma_start3A_405 = arith.constant 0 : i32
      %dma_start3A_406 = tpu.memref_slice %arg2[%mul3A_203, %dma_start3A_404, %dma_start3A_405] : memref<12800x2x128xi32, #tpu.memory_space<hbm>> -> memref<1x2x128xi32, #tpu.memory_space<hbm>>
      %dma_start3A_407 = tpu.memref_squeeze %dma_start3A_406 : memref<1x2x128xi32, #tpu.memory_space<hbm>> -> memref<2x128xi32, #tpu.memory_space<hbm>>
      %dma_start3A_408 = arith.constant 0 : i32
      %dma_start3A_409 = arith.constant 0 : i32
      %dma_start3A_410 = tpu.memref_slice %arg6[%run_scoped3A_204, %dma_start3A_408, %dma_start3A_409] : memref<3x2x128xi32, #tpu.memory_space<vmem>> -> memref<1x2x128xi32, #tpu.memory_space<vmem>>
      %dma_start3A_411 = tpu.memref_squeeze %dma_start3A_410 : memref<1x2x128xi32, #tpu.memory_space<vmem>> -> memref<2x128xi32, #tpu.memory_space<vmem>>
      %dma_start3A_412 = arith.constant 0 : i32
      %dma_start3A_413 = arith.constant 0 : i32
      %dma_start3A_414 = tpu.memref_slice %arg2[%mul3A_203, %dma_start3A_412, %dma_start3A_413] : memref<12800x2x128xi32, #tpu.memory_space<hbm>> -> memref<1x2x128xi32, #tpu.memory_space<hbm>>
      %dma_start3A_415 = tpu.memref_squeeze %dma_start3A_414 : memref<1x2x128xi32, #tpu.memory_space<hbm>> -> memref<2x128xi32, #tpu.memory_space<hbm>>
      tpu.enqueue_dma source(%dma_start3A_415 : memref<2x128xi32, #tpu.memory_space<hbm>>) target(%dma_start3A_411 : memref<2x128xi32, #tpu.memory_space<vmem>>) target_semaphore(%run_scoped3A_399 : memref<!tpu.dma_semaphore, #tpu.memory_space<semaphore_mem>>)
      %dma_wait3A_416 = arith.constant 0 : i32
      %dma_wait3A_417 = arith.constant 0 : i32
      %dma_wait3A_418 = tpu.memref_slice %arg6[%run_scoped3A_204, %dma_wait3A_416, %dma_wait3A_417] : memref<3x2x128xi32, #tpu.memory_space<vmem>> -> memref<1x2x128xi32, #tpu.memory_space<vmem>>
      %dma_wait3A_419 = tpu.memref_squeeze %dma_wait3A_418 : memref<1x2x128xi32, #tpu.memory_space<vmem>> -> memref<2x128xi32, #tpu.memory_space<vmem>>
      %dma_wait3A_420 = arith.constant 0 : i32
      %dma_wait3A_421 = arith.constant 0 : i32
      %dma_wait3A_422 = tpu.memref_slice %arg2[%mul3A_203, %dma_wait3A_420, %dma_wait3A_421] : memref<12800x2x128xi32, #tpu.memory_space<hbm>> -> memref<1x2x128xi32, #tpu.memory_space<hbm>>
      %dma_wait3A_423 = tpu.memref_squeeze %dma_wait3A_422 : memref<1x2x128xi32, #tpu.memory_space<hbm>> -> memref<2x128xi32, #tpu.memory_space<hbm>>
      %dma_wait3A_424 = arith.constant 0 : i32
      %dma_wait3A_425 = arith.constant 0 : i32
      %dma_wait3A_426 = tpu.memref_slice %arg6[%run_scoped3A_204, %dma_wait3A_424, %dma_wait3A_425] : memref<3x2x128xi32, #tpu.memory_space<vmem>> -> memref<1x2x128xi32, #tpu.memory_space<vmem>>
      %dma_wait3A_427 = tpu.memref_squeeze %dma_wait3A_426 : memref<1x2x128xi32, #tpu.memory_space<vmem>> -> memref<2x128xi32, #tpu.memory_space<vmem>>
      %dma_wait3A_428 = arith.constant 0 : i32
      %dma_wait3A_429 = arith.constant 0 : i32
      %dma_wait3A_430 = tpu.memref_slice %arg2[%mul3A_203, %dma_wait3A_428, %dma_wait3A_429] : memref<12800x2x128xi32, #tpu.memory_space<hbm>> -> memref<1x2x128xi32, #tpu.memory_space<hbm>>
      %dma_wait3A_431 = tpu.memref_squeeze %dma_wait3A_430 : memref<1x2x128xi32, #tpu.memory_space<hbm>> -> memref<2x128xi32, #tpu.memory_space<hbm>>
      tpu.wait_dma2 semaphore(%run_scoped3A_399 : memref<!tpu.dma_semaphore, #tpu.memory_space<semaphore_mem>>) src(%dma_wait3A_431 : memref<2x128xi32, #tpu.memory_space<hbm>>) dst(%dma_wait3A_427 : memref<2x128xi32, #tpu.memory_space<vmem>>)
      tpu.yield
    }) : () -> ()
    %add3A_205 = arith.constant 1 : i32
    %add3A_206 = arith.addi %mul3A_203, %add3A_205 : i32
    %dma_start3A_207 = arith.constant 1 : i32
    %dma_start3A_208 = arith.constant 0 : i32
    %dma_start3A_209 = arith.constant 0 : i32
    %dma_start3A_210 = tpu.memref_slice %arg6[%dma_start3A_207, %dma_start3A_208, %dma_start3A_209] : memref<3x2x128xi32, #tpu.memory_space<vmem>> -> memref<1x2x128xi32, #tpu.memory_space<vmem>>
    %dma_start3A_211 = tpu.memref_squeeze %dma_start3A_210 : memref<1x2x128xi32, #tpu.memory_space<vmem>> -> memref<2x128xi32, #tpu.memory_space<vmem>>
    %dma_start3A_212 = arith.constant 0 : i32
    %dma_start3A_213 = arith.constant 0 : i32
    %dma_start3A_214 = tpu.memref_slice %arg2[%add3A_206, %dma_start3A_212, %dma_start3A_213] : memref<12800x2x128xi32, #tpu.memory_space<hbm>> -> memref<1x2x128xi32, #tpu.memory_space<hbm>>
    %dma_start3A_215 = tpu.memref_squeeze %dma_start3A_214 : memref<1x2x128xi32, #tpu.memory_space<hbm>> -> memref<2x128xi32, #tpu.memory_space<hbm>>
    %dma_start3A_216 = arith.constant 0 : i32
    %dma_start3A_217 = arith.constant 0 : i32
    %dma_start3A_218 = tpu.memref_slice %arg6[%dma_start3A_207, %dma_start3A_216, %dma_start3A_217] : memref<3x2x128xi32, #tpu.memory_space<vmem>> -> memref<1x2x128xi32, #tpu.memory_space<vmem>>
    %dma_start3A_219 = tpu.memref_squeeze %dma_start3A_218 : memref<1x2x128xi32, #tpu.memory_space<vmem>> -> memref<2x128xi32, #tpu.memory_space<vmem>>
    %dma_start3A_220 = arith.constant 0 : i32
    %dma_start3A_221 = arith.constant 0 : i32
    %dma_start3A_222 = tpu.memref_slice %arg2[%add3A_206, %dma_start3A_220, %dma_start3A_221] : memref<12800x2x128xi32, #tpu.memory_space<hbm>> -> memref<1x2x128xi32, #tpu.memory_space<hbm>>
    %dma_start3A_223 = tpu.memref_squeeze %dma_start3A_222 : memref<1x2x128xi32, #tpu.memory_space<hbm>> -> memref<2x128xi32, #tpu.memory_space<hbm>>
    tpu.enqueue_dma source(%dma_start3A_223 : memref<2x128xi32, #tpu.memory_space<hbm>>) target(%dma_start3A_219 : memref<2x128xi32, #tpu.memory_space<vmem>>) target_semaphore(%arg8 : memref<!tpu.dma_semaphore, #tpu.memory_space<semaphore_mem>>)
    %add3A_224 = arith.constant 2 : i32
    %add3A_225 = arith.addi %mul3A_203, %add3A_224 : i32
    %dma_start3A_226 = arith.constant 2 : i32
    %dma_start3A_227 = arith.constant 0 : i32
    %dma_start3A_228 = arith.constant 0 : i32
    %dma_start3A_229 = tpu.memref_slice %arg6[%dma_start3A_226, %dma_start3A_227, %dma_start3A_228] : memref<3x2x128xi32, #tpu.memory_space<vmem>> -> memref<1x2x128xi32, #tpu.memory_space<vmem>>
    %dma_start3A_230 = tpu.memref_squeeze %dma_start3A_229 : memref<1x2x128xi32, #tpu.memory_space<vmem>> -> memref<2x128xi32, #tpu.memory_space<vmem>>
    %dma_start3A_231 = arith.constant 0 : i32
    %dma_start3A_232 = arith.constant 0 : i32
    %dma_start3A_233 = tpu.memref_slice %arg2[%add3A_225, %dma_start3A_231, %dma_start3A_232] : memref<12800x2x128xi32, #tpu.memory_space<hbm>> -> memref<1x2x128xi32, #tpu.memory_space<hbm>>
    %dma_start3A_234 = tpu.memref_squeeze %dma_start3A_233 : memref<1x2x128xi32, #tpu.memory_space<hbm>> -> memref<2x128xi32, #tpu.memory_space<hbm>>
    %dma_start3A_235 = arith.constant 0 : i32
    %dma_start3A_236 = arith.constant 0 : i32
    %dma_start3A_237 = tpu.memref_slice %arg6[%dma_start3A_226, %dma_start3A_235, %dma_start3A_236] : memref<3x2x128xi32, #tpu.memory_space<vmem>> -> memref<1x2x128xi32, #tpu.memory_space<vmem>>
    %dma_start3A_238 = tpu.memref_squeeze %dma_start3A_237 : memref<1x2x128xi32, #tpu.memory_space<vmem>> -> memref<2x128xi32, #tpu.memory_space<vmem>>
    %dma_start3A_239 = arith.constant 0 : i32
    %dma_start3A_240 = arith.constant 0 : i32
    %dma_start3A_241 = tpu.memref_slice %arg2[%add3A_225, %dma_start3A_239, %dma_start3A_240] : memref<12800x2x128xi32, #tpu.memory_space<hbm>> -> memref<1x2x128xi32, #tpu.memory_space<hbm>>
    %dma_start3A_242 = tpu.memref_squeeze %dma_start3A_241 : memref<1x2x128xi32, #tpu.memory_space<hbm>> -> memref<2x128xi32, #tpu.memory_space<hbm>>
    tpu.enqueue_dma source(%dma_start3A_242 : memref<2x128xi32, #tpu.memory_space<hbm>>) target(%dma_start3A_238 : memref<2x128xi32, #tpu.memory_space<vmem>>) target_semaphore(%arg8 : memref<!tpu.dma_semaphore, #tpu.memory_space<semaphore_mem>>)
    %dma_start3A_243 = arith.constant 0 : i32
    %dma_start3A_244 = arith.constant 0 : i32
    %dma_start3A_245 = arith.constant 0 : i32
    %dma_start3A_246 = arith.constant 0 : i32
    %dma_start3A_247 = arith.constant 0 : i32
    %dma_start3A_248 = tpu.memref_slice %arg5[%dma_start3A_245, %dma_start3A_246, %dma_start3A_247] : memref<2x256x128xf32, #tpu.memory_space<vmem>> -> memref<1x128x128xf32, #tpu.memory_space<vmem>>
    %dma_start3A_249 = tpu.memref_squeeze %dma_start3A_248 : memref<1x128x128xf32, #tpu.memory_space<vmem>> -> memref<128x128xf32, #tpu.memory_space<vmem>>
    %dma_start3A_250 = arith.constant 0 : i32
    %dma_start3A_251 = tpu.memref_slice %arg6[%dma_start3A_243, %dma_start3A_244, %dma_start3A_250] : memref<3x2x128xi32, #tpu.memory_space<vmem>> -> memref<1x1x128xi32, #tpu.memory_space<vmem>>
    %dma_start3A_252 = tpu.memref_squeeze %dma_start3A_251 : memref<1x1x128xi32, #tpu.memory_space<vmem>> -> memref<128xi32, #tpu.memory_space<vmem>>
    %dma_start3A_253 = arith.constant 0 : i32
    %dma_start3A_254 = arith.constant 0 : i32
    %dma_start3A_255 = tpu.memref_slice %arg3[%dma_start3A_253, %dma_start3A_254] : memref<100000x128xf32, #tpu.memory_space<hbm>> -> memref<100000x128xf32, #tpu.memory_space<hbm>>
    tpu.enqueue_indirect_dma source(%dma_start3A_255 : memref<100000x128xf32, #tpu.memory_space<hbm>>) target(%dma_start3A_249 : memref<128x128xf32, #tpu.memory_space<vmem>>) offsets(%dma_start3A_252 : memref<128xi32, #tpu.memory_space<vmem>>) semaphore(%arg7 : memref<!tpu.dma_semaphore, #tpu.memory_space<semaphore_mem>>)
    %dma_start3A_256 = arith.constant 0 : i32
    %dma_start3A_257 = arith.constant 1 : i32
    %dma_start3A_258 = arith.constant 0 : i32
    %dma_start3A_259 = arith.constant 128 : i32
    %dma_start3A_260 = arith.constant 0 : i32
    %dma_start3A_261 = tpu.memref_slice %arg5[%dma_start3A_258, %dma_start3A_259, %dma_start3A_260] : memref<2x256x128xf32, #tpu.memory_space<vmem>> -> memref<1x128x128xf32, #tpu.memory_space<vmem>>
    %dma_start3A_262 = tpu.memref_squeeze %dma_start3A_261 : memref<1x128x128xf32, #tpu.memory_space<vmem>> -> memref<128x128xf32, #tpu.memory_space<vmem>>
    %dma_start3A_263 = arith.constant 0 : i32
    %dma_start3A_264 = tpu.memref_slice %arg6[%dma_start3A_256, %dma_start3A_257, %dma_start3A_263] : memref<3x2x128xi32, #tpu.memory_space<vmem>> -> memref<1x1x128xi32, #tpu.memory_space<vmem>>
    %dma_start3A_265 = tpu.memref_squeeze %dma_start3A_264 : memref<1x1x128xi32, #tpu.memory_space<vmem>> -> memref<128xi32, #tpu.memory_space<vmem>>
    %dma_start3A_266 = arith.constant 0 : i32
    %dma_start3A_267 = arith.constant 0 : i32
    %dma_start3A_268 = tpu.memref_slice %arg3[%dma_start3A_266, %dma_start3A_267] : memref<100000x128xf32, #tpu.memory_space<hbm>> -> memref<100000x128xf32, #tpu.memory_space<hbm>>
    tpu.enqueue_indirect_dma source(%dma_start3A_268 : memref<100000x128xf32, #tpu.memory_space<hbm>>) target(%dma_start3A_262 : memref<128x128xf32, #tpu.memory_space<vmem>>) offsets(%dma_start3A_265 : memref<128xi32, #tpu.memory_space<vmem>>) semaphore(%arg7 : memref<!tpu.dma_semaphore, #tpu.memory_space<semaphore_mem>>)
    %add3A_269 = arith.constant 1 : i32
    %add3A_270 = arith.addi %mul3A_203, %add3A_269 : i32
    %dma_wait3A_271 = arith.constant 1 : i32
    %dma_wait3A_272 = arith.constant 0 : i32
    %dma_wait3A_273 = arith.constant 0 : i32
    %dma_wait3A_274 = tpu.memref_slice %arg6[%dma_wait3A_271, %dma_wait3A_272, %dma_wait3A_273] : memref<3x2x128xi32, #tpu.memory_space<vmem>> -> memref<1x2x128xi32, #tpu.memory_space<vmem>>
    %dma_wait3A_275 = tpu.memref_squeeze %dma_wait3A_274 : memref<1x2x128xi32, #tpu.memory_space<vmem>> -> memref<2x128xi32, #tpu.memory_space<vmem>>
    %dma_wait3A_276 = arith.constant 0 : i32
    %dma_wait3A_277 = arith.constant 0 : i32
    %dma_wait3A_278 = tpu.memref_slice %arg2[%add3A_270, %dma_wait3A_276, %dma_wait3A_277] : memref<12800x2x128xi32, #tpu.memory_space<hbm>> -> memref<1x2x128xi32, #tpu.memory_space<hbm>>
    %dma_wait3A_279 = tpu.memref_squeeze %dma_wait3A_278 : memref<1x2x128xi32, #tpu.memory_space<hbm>> -> memref<2x128xi32, #tpu.memory_space<hbm>>
    %dma_wait3A_280 = arith.constant 0 : i32
    %dma_wait3A_281 = arith.constant 0 : i32
    %dma_wait3A_282 = tpu.memref_slice %arg6[%dma_wait3A_271, %dma_wait3A_280, %dma_wait3A_281] : memref<3x2x128xi32, #tpu.memory_space<vmem>> -> memref<1x2x128xi32, #tpu.memory_space<vmem>>
    %dma_wait3A_283 = tpu.memref_squeeze %dma_wait3A_282 : memref<1x2x128xi32, #tpu.memory_space<vmem>> -> memref<2x128xi32, #tpu.memory_space<vmem>>
    %dma_wait3A_284 = arith.constant 0 : i32
    %dma_wait3A_285 = arith.constant 0 : i32
    %dma_wait3A_286 = tpu.memref_slice %arg2[%add3A_270, %dma_wait3A_284, %dma_wait3A_285] : memref<12800x2x128xi32, #tpu.memory_space<hbm>> -> memref<1x2x128xi32, #tpu.memory_space<hbm>>
    %dma_wait3A_287 = tpu.memref_squeeze %dma_wait3A_286 : memref<1x2x128xi32, #tpu.memory_space<hbm>> -> memref<2x128xi32, #tpu.memory_space<hbm>>
    tpu.wait_dma2 semaphore(%arg8 : memref<!tpu.dma_semaphore, #tpu.memory_space<semaphore_mem>>) src(%dma_wait3A_287 : memref<2x128xi32, #tpu.memory_space<hbm>>) dst(%dma_wait3A_283 : memref<2x128xi32, #tpu.memory_space<vmem>>)
    %dma_start3A_288 = arith.constant 1 : i32
    %dma_start3A_289 = arith.constant 0 : i32
    %dma_start3A_290 = arith.constant 1 : i32
    %dma_start3A_291 = arith.constant 0 : i32
    %dma_start3A_292 = arith.constant 0 : i32
    %dma_start3A_293 = tpu.memref_slice %arg5[%dma_start3A_290, %dma_start3A_291, %dma_start3A_292] : memref<2x256x128xf32, #tpu.memory_space<vmem>> -> memref<1x128x128xf32, #tpu.memory_space<vmem>>
    %dma_start3A_294 = tpu.memref_squeeze %dma_start3A_293 : memref<1x128x128xf32, #tpu.memory_space<vmem>> -> memref<128x128xf32, #tpu.memory_space<vmem>>
    %dma_start3A_295 = arith.constant 0 : i32
    %dma_start3A_296 = tpu.memref_slice %arg6[%dma_start3A_288, %dma_start3A_289, %dma_start3A_295] : memref<3x2x128xi32, #tpu.memory_space<vmem>> -> memref<1x1x128xi32, #tpu.memory_space<vmem>>
    %dma_start3A_297 = tpu.memref_squeeze %dma_start3A_296 : memref<1x1x128xi32, #tpu.memory_space<vmem>> -> memref<128xi32, #tpu.memory_space<vmem>>
    %dma_start3A_298 = arith.constant 0 : i32
    %dma_start3A_299 = arith.constant 0 : i32
    %dma_start3A_300 = tpu.memref_slice %arg3[%dma_start3A_298, %dma_start3A_299] : memref<100000x128xf32, #tpu.memory_space<hbm>> -> memref<100000x128xf32, #tpu.memory_space<hbm>>
    tpu.enqueue_indirect_dma source(%dma_start3A_300 : memref<100000x128xf32, #tpu.memory_space<hbm>>) target(%dma_start3A_294 : memref<128x128xf32, #tpu.memory_space<vmem>>) offsets(%dma_start3A_297 : memref<128xi32, #tpu.memory_space<vmem>>) semaphore(%arg7 : memref<!tpu.dma_semaphore, #tpu.memory_space<semaphore_mem>>)
    %dma_start3A_301 = arith.constant 1 : i32
    %dma_start3A_302 = arith.constant 1 : i32
    %dma_start3A_303 = arith.constant 1 : i32
    %dma_start3A_304 = arith.constant 128 : i32
    %dma_start3A_305 = arith.constant 0 : i32
    %dma_start3A_306 = tpu.memref_slice %arg5[%dma_start3A_303, %dma_start3A_304, %dma_start3A_305] : memref<2x256x128xf32, #tpu.memory_space<vmem>> -> memref<1x128x128xf32, #tpu.memory_space<vmem>>
    %dma_start3A_307 = tpu.memref_squeeze %dma_start3A_306 : memref<1x128x128xf32, #tpu.memory_space<vmem>> -> memref<128x128xf32, #tpu.memory_space<vmem>>
    %dma_start3A_308 = arith.constant 0 : i32
    %dma_start3A_309 = tpu.memref_slice %arg6[%dma_start3A_301, %dma_start3A_302, %dma_start3A_308] : memref<3x2x128xi32, #tpu.memory_space<vmem>> -> memref<1x1x128xi32, #tpu.memory_space<vmem>>
    %dma_start3A_310 = tpu.memref_squeeze %dma_start3A_309 : memref<1x1x128xi32, #tpu.memory_space<vmem>> -> memref<128xi32, #tpu.memory_space<vmem>>
    %dma_start3A_311 = arith.constant 0 : i32
    %dma_start3A_312 = arith.constant 0 : i32
    %dma_start3A_313 = tpu.memref_slice %arg3[%dma_start3A_311, %dma_start3A_312] : memref<100000x128xf32, #tpu.memory_space<hbm>> -> memref<100000x128xf32, #tpu.memory_space<hbm>>
    tpu.enqueue_indirect_dma source(%dma_start3A_313 : memref<100000x128xf32, #tpu.memory_space<hbm>>) target(%dma_start3A_307 : memref<128x128xf32, #tpu.memory_space<vmem>>) offsets(%dma_start3A_310 : memref<128xi32, #tpu.memory_space<vmem>>) semaphore(%arg7 : memref<!tpu.dma_semaphore, #tpu.memory_space<semaphore_mem>>)
    %dma_wait3A_314 = arith.constant 0 : i32
    %dma_wait3A_315 = arith.constant 0 : i32
    %dma_wait3A_316 = arith.constant 0 : i32
    %dma_wait3A_317 = arith.constant 0 : i32
    %dma_wait3A_318 = arith.constant 0 : i32
    %dma_wait3A_319 = tpu.memref_slice %arg5[%dma_wait3A_316, %dma_wait3A_317, %dma_wait3A_318] : memref<2x256x128xf32, #tpu.memory_space<vmem>> -> memref<1x128x128xf32, #tpu.memory_space<vmem>>
    %dma_wait3A_320 = tpu.memref_squeeze %dma_wait3A_319 : memref<1x128x128xf32, #tpu.memory_space<vmem>> -> memref<128x128xf32, #tpu.memory_space<vmem>>
    %dma_wait3A_321 = arith.constant 0 : i32
    %dma_wait3A_322 = tpu.memref_slice %arg6[%dma_wait3A_314, %dma_wait3A_315, %dma_wait3A_321] : memref<3x2x128xi32, #tpu.memory_space<vmem>> -> memref<1x1x128xi32, #tpu.memory_space<vmem>>
    %dma_wait3A_323 = tpu.memref_squeeze %dma_wait3A_322 : memref<1x1x128xi32, #tpu.memory_space<vmem>> -> memref<128xi32, #tpu.memory_space<vmem>>
    %dma_wait3A_324 = arith.constant 0 : i32
    %dma_wait3A_325 = arith.constant 0 : i32
    %dma_wait3A_326 = tpu.memref_slice %arg3[%dma_wait3A_324, %dma_wait3A_325] : memref<100000x128xf32, #tpu.memory_space<hbm>> -> memref<100000x128xf32, #tpu.memory_space<hbm>>
    tpu.wait_indirect_dma semaphore(%arg7 : memref<!tpu.dma_semaphore, #tpu.memory_space<semaphore_mem>>) src(%dma_wait3A_326 : memref<100000x128xf32, #tpu.memory_space<hbm>>) dst(%dma_wait3A_320 : memref<128x128xf32, #tpu.memory_space<vmem>>)
    %dma_wait3A_327 = arith.constant 0 : i32
    %dma_wait3A_328 = arith.constant 1 : i32
    %dma_wait3A_329 = arith.constant 0 : i32
    %dma_wait3A_330 = arith.constant 128 : i32
    %dma_wait3A_331 = arith.constant 0 : i32
    %dma_wait3A_332 = tpu.memref_slice %arg5[%dma_wait3A_329, %dma_wait3A_330, %dma_wait3A_331] : memref<2x256x128xf32, #tpu.memory_space<vmem>> -> memref<1x128x128xf32, #tpu.memory_space<vmem>>
    %dma_wait3A_333 = tpu.memref_squeeze %dma_wait3A_332 : memref<1x128x128xf32, #tpu.memory_space<vmem>> -> memref<128x128xf32, #tpu.memory_space<vmem>>
    %dma_wait3A_334 = arith.constant 0 : i32
    %dma_wait3A_335 = tpu.memref_slice %arg6[%dma_wait3A_327, %dma_wait3A_328, %dma_wait3A_334] : memref<3x2x128xi32, #tpu.memory_space<vmem>> -> memref<1x1x128xi32, #tpu.memory_space<vmem>>
    %dma_wait3A_336 = tpu.memref_squeeze %dma_wait3A_335 : memref<1x1x128xi32, #tpu.memory_space<vmem>> -> memref<128xi32, #tpu.memory_space<vmem>>
    %dma_wait3A_337 = arith.constant 0 : i32
    %dma_wait3A_338 = arith.constant 0 : i32
    %dma_wait3A_339 = tpu.memref_slice %arg3[%dma_wait3A_337, %dma_wait3A_338] : memref<100000x128xf32, #tpu.memory_space<hbm>> -> memref<100000x128xf32, #tpu.memory_space<hbm>>
    tpu.wait_indirect_dma semaphore(%arg7 : memref<!tpu.dma_semaphore, #tpu.memory_space<semaphore_mem>>) src(%dma_wait3A_339 : memref<100000x128xf32, #tpu.memory_space<hbm>>) dst(%dma_wait3A_333 : memref<128x128xf32, #tpu.memory_space<vmem>>)
    %add3A_340 = arith.constant 3 : i32
    %add3A_341 = arith.addi %mul3A_203, %add3A_340 : i32
    %dma_start3A_342 = arith.constant 0 : i32
    %dma_start3A_343 = arith.constant 0 : i32
    %dma_start3A_344 = arith.constant 0 : i32
    %dma_start3A_345 = tpu.memref_slice %arg6[%dma_start3A_342, %dma_start3A_343, %dma_start3A_344] : memref<3x2x128xi32, #tpu.memory_space<vmem>> -> memref<1x2x128xi32, #tpu.memory_space<vmem>>
    %dma_start3A_346 = tpu.memref_squeeze %dma_start3A_345 : memref<1x2x128xi32, #tpu.memory_space<vmem>> -> memref<2x128xi32, #tpu.memory_space<vmem>>
    %dma_start3A_347 = arith.constant 0 : i32
    %dma_start3A_348 = arith.constant 0 : i32
    %dma_start3A_349 = tpu.memref_slice %arg2[%add3A_341, %dma_start3A_347, %dma_start3A_348] : memref<12800x2x128xi32, #tpu.memory_space<hbm>> -> memref<1x2x128xi32, #tpu.memory_space<hbm>>
    %dma_start3A_350 = tpu.memref_squeeze %dma_start3A_349 : memref<1x2x128xi32, #tpu.memory_space<hbm>> -> memref<2x128xi32, #tpu.memory_space<hbm>>
    %dma_start3A_351 = arith.constant 0 : i32
    %dma_start3A_352 = arith.constant 0 : i32
    %dma_start3A_353 = tpu.memref_slice %arg6[%dma_start3A_342, %dma_start3A_351, %dma_start3A_352] : memref<3x2x128xi32, #tpu.memory_space<vmem>> -> memref<1x2x128xi32, #tpu.memory_space<vmem>>
    %dma_start3A_354 = tpu.memref_squeeze %dma_start3A_353 : memref<1x2x128xi32, #tpu.memory_space<vmem>> -> memref<2x128xi32, #tpu.memory_space<vmem>>
    %dma_start3A_355 = arith.constant 0 : i32
    %dma_start3A_356 = arith.constant 0 : i32
    %dma_start3A_357 = tpu.memref_slice %arg2[%add3A_341, %dma_start3A_355, %dma_start3A_356] : memref<12800x2x128xi32, #tpu.memory_space<hbm>> -> memref<1x2x128xi32, #tpu.memory_space<hbm>>
    %dma_start3A_358 = tpu.memref_squeeze %dma_start3A_357 : memref<1x2x128xi32, #tpu.memory_space<hbm>> -> memref<2x128xi32, #tpu.memory_space<hbm>>
    tpu.enqueue_dma source(%dma_start3A_358 : memref<2x128xi32, #tpu.memory_space<hbm>>) target(%dma_start3A_354 : memref<2x128xi32, #tpu.memory_space<vmem>>) target_semaphore(%arg8 : memref<!tpu.dma_semaphore, #tpu.memory_space<semaphore_mem>>)
    %scan3A_359 = arith.constant 0 : i32
    %scan3A_360 = arith.constant 2 : i32
    %scan3A_361 = arith.constant 198 : i32
    %scan3A_362 = arith.addi %scan3A_360, %scan3A_361 : i32
    %scan3A_363 = arith.constant 1 : i32
    scf.for %scan3A_399 = %scan3A_360 to %scan3A_362 step %scan3A_363  : i32 {
      %rem3A = arith.constant 3 : i32
      %rem3A_400 = arith.remsi %scan3A_399, %rem3A : i32
      %rem3A_401 = arith.constant 2 : i32
      %rem3A_402 = arith.remsi %scan3A_399, %rem3A_401 : i32
      %add3A_403 = arith.addi %mul3A_203, %scan3A_399 : i32
      %dma_wait3A_404 = arith.constant 0 : i32
      %dma_wait3A_405 = arith.constant 0 : i32
      %dma_wait3A_406 = tpu.memref_slice %arg6[%rem3A_400, %dma_wait3A_404, %dma_wait3A_405] : memref<3x2x128xi32, #tpu.memory_space<vmem>> -> memref<1x2x128xi32, #tpu.memory_space<vmem>>
      %dma_wait3A_407 = tpu.memref_squeeze %dma_wait3A_406 : memref<1x2x128xi32, #tpu.memory_space<vmem>> -> memref<2x128xi32, #tpu.memory_space<vmem>>
      %dma_wait3A_408 = arith.constant 0 : i32
      %dma_wait3A_409 = arith.constant 0 : i32
      %dma_wait3A_410 = tpu.memref_slice %arg2[%add3A_403, %dma_wait3A_408, %dma_wait3A_409] : memref<12800x2x128xi32, #tpu.memory_space<hbm>> -> memref<1x2x128xi32, #tpu.memory_space<hbm>>
      %dma_wait3A_411 = tpu.memref_squeeze %dma_wait3A_410 : memref<1x2x128xi32, #tpu.memory_space<hbm>> -> memref<2x128xi32, #tpu.memory_space<hbm>>
      %dma_wait3A_412 = arith.constant 0 : i32
      %dma_wait3A_413 = arith.constant 0 : i32
      %dma_wait3A_414 = tpu.memref_slice %arg6[%rem3A_400, %dma_wait3A_412, %dma_wait3A_413] : memref<3x2x128xi32, #tpu.memory_space<vmem>> -> memref<1x2x128xi32, #tpu.memory_space<vmem>>
      %dma_wait3A_415 = tpu.memref_squeeze %dma_wait3A_414 : memref<1x2x128xi32, #tpu.memory_space<vmem>> -> memref<2x128xi32, #tpu.memory_space<vmem>>
      %dma_wait3A_416 = arith.constant 0 : i32
      %dma_wait3A_417 = arith.constant 0 : i32
      %dma_wait3A_418 = tpu.memref_slice %arg2[%add3A_403, %dma_wait3A_416, %dma_wait3A_417] : memref<12800x2x128xi32, #tpu.memory_space<hbm>> -> memref<1x2x128xi32, #tpu.memory_space<hbm>>
      %dma_wait3A_419 = tpu.memref_squeeze %dma_wait3A_418 : memref<1x2x128xi32, #tpu.memory_space<hbm>> -> memref<2x128xi32, #tpu.memory_space<hbm>>
      tpu.wait_dma2 semaphore(%arg8 : memref<!tpu.dma_semaphore, #tpu.memory_space<semaphore_mem>>) src(%dma_wait3A_419 : memref<2x128xi32, #tpu.memory_space<hbm>>) dst(%dma_wait3A_415 : memref<2x128xi32, #tpu.memory_space<vmem>>)
      %dma_start3A_420 = arith.constant 0 : i32
      %dma_start3A_421 = arith.constant 0 : i32
      %dma_start3A_422 = arith.constant 0 : i32
      %dma_start3A_423 = tpu.memref_slice %arg5[%rem3A_402, %dma_start3A_421, %dma_start3A_422] : memref<2x256x128xf32, #tpu.memory_space<vmem>> -> memref<1x128x128xf32, #tpu.memory_space<vmem>>
      %dma_start3A_424 = tpu.memref_squeeze %dma_start3A_423 : memref<1x128x128xf32, #tpu.memory_space<vmem>> -> memref<128x128xf32, #tpu.memory_space<vmem>>
      %dma_start3A_425 = arith.constant 0 : i32
      %dma_start3A_426 = tpu.memref_slice %arg6[%rem3A_400, %dma_start3A_420, %dma_start3A_425] : memref<3x2x128xi32, #tpu.memory_space<vmem>> -> memref<1x1x128xi32, #tpu.memory_space<vmem>>
      %dma_start3A_427 = tpu.memref_squeeze %dma_start3A_426 : memref<1x1x128xi32, #tpu.memory_space<vmem>> -> memref<128xi32, #tpu.memory_space<vmem>>
      %dma_start3A_428 = arith.constant 0 : i32
      %dma_start3A_429 = arith.constant 0 : i32
      %dma_start3A_430 = tpu.memref_slice %arg3[%dma_start3A_428, %dma_start3A_429] : memref<100000x128xf32, #tpu.memory_space<hbm>> -> memref<100000x128xf32, #tpu.memory_space<hbm>>
      tpu.enqueue_indirect_dma source(%dma_start3A_430 : memref<100000x128xf32, #tpu.memory_space<hbm>>) target(%dma_start3A_424 : memref<128x128xf32, #tpu.memory_space<vmem>>) offsets(%dma_start3A_427 : memref<128xi32, #tpu.memory_space<vmem>>) semaphore(%arg7 : memref<!tpu.dma_semaphore, #tpu.memory_space<semaphore_mem>>) {add = true}
      %dma_start3A_431 = arith.constant 1 : i32
      %dma_start3A_432 = arith.constant 128 : i32
      %dma_start3A_433 = arith.constant 0 : i32
      %dma_start3A_434 = tpu.memref_slice %arg5[%rem3A_402, %dma_start3A_432, %dma_start3A_433] : memref<2x256x128xf32, #tpu.memory_space<vmem>> -> memref<1x128x128xf32, #tpu.memory_space<vmem>>
      %dma_start3A_435 = tpu.memref_squeeze %dma_start3A_434 : memref<1x128x128xf32, #tpu.memory_space<vmem>> -> memref<128x128xf32, #tpu.memory_space<vmem>>
      %dma_start3A_436 = arith.constant 0 : i32
      %dma_start3A_437 = tpu.memref_slice %arg6[%rem3A_400, %dma_start3A_431, %dma_start3A_436] : memref<3x2x128xi32, #tpu.memory_space<vmem>> -> memref<1x1x128xi32, #tpu.memory_space<vmem>>
      %dma_start3A_438 = tpu.memref_squeeze %dma_start3A_437 : memref<1x1x128xi32, #tpu.memory_space<vmem>> -> memref<128xi32, #tpu.memory_space<vmem>>
      %dma_start3A_439 = arith.constant 0 : i32
      %dma_start3A_440 = arith.constant 0 : i32
      %dma_start3A_441 = tpu.memref_slice %arg3[%dma_start3A_439, %dma_start3A_440] : memref<100000x128xf32, #tpu.memory_space<hbm>> -> memref<100000x128xf32, #tpu.memory_space<hbm>>
      tpu.enqueue_indirect_dma source(%dma_start3A_441 : memref<100000x128xf32, #tpu.memory_space<hbm>>) target(%dma_start3A_435 : memref<128x128xf32, #tpu.memory_space<vmem>>) offsets(%dma_start3A_438 : memref<128xi32, #tpu.memory_space<vmem>>) semaphore(%arg7 : memref<!tpu.dma_semaphore, #tpu.memory_space<semaphore_mem>>) {add = true}
      %dma_wait3A_442 = arith.constant 0 : i32
      %dma_wait3A_443 = arith.constant 0 : i32
      %dma_wait3A_444 = arith.constant 0 : i32
      %dma_wait3A_445 = arith.constant 0 : i32
      %dma_wait3A_446 = arith.constant 0 : i32
      %dma_wait3A_447 = tpu.memref_slice %arg5[%dma_wait3A_444, %dma_wait3A_445, %dma_wait3A_446] : memref<2x256x128xf32, #tpu.memory_space<vmem>> -> memref<1x128x128xf32, #tpu.memory_space<vmem>>
      %dma_wait3A_448 = tpu.memref_squeeze %dma_wait3A_447 : memref<1x128x128xf32, #tpu.memory_space<vmem>> -> memref<128x128xf32, #tpu.memory_space<vmem>>
      %dma_wait3A_449 = arith.constant 0 : i32
      %dma_wait3A_450 = tpu.memref_slice %arg6[%dma_wait3A_442, %dma_wait3A_443, %dma_wait3A_449] : memref<3x2x128xi32, #tpu.memory_space<vmem>> -> memref<1x1x128xi32, #tpu.memory_space<vmem>>
      %dma_wait3A_451 = tpu.memref_squeeze %dma_wait3A_450 : memref<1x1x128xi32, #tpu.memory_space<vmem>> -> memref<128xi32, #tpu.memory_space<vmem>>
      %dma_wait3A_452 = arith.constant 0 : i32
      %dma_wait3A_453 = arith.constant 0 : i32
      %dma_wait3A_454 = tpu.memref_slice %arg3[%dma_wait3A_452, %dma_wait3A_453] : memref<100000x128xf32, #tpu.memory_space<hbm>> -> memref<100000x128xf32, #tpu.memory_space<hbm>>
      tpu.wait_indirect_dma semaphore(%arg7 : memref<!tpu.dma_semaphore, #tpu.memory_space<semaphore_mem>>) src(%dma_wait3A_454 : memref<100000x128xf32, #tpu.memory_space<hbm>>) dst(%dma_wait3A_448 : memref<128x128xf32, #tpu.memory_space<vmem>>)
      %dma_wait3A_455 = arith.constant 0 : i32
      %dma_wait3A_456 = arith.constant 1 : i32
      %dma_wait3A_457 = arith.constant 0 : i32
      %dma_wait3A_458 = arith.constant 128 : i32
      %dma_wait3A_459 = arith.constant 0 : i32
      %dma_wait3A_460 = tpu.memref_slice %arg5[%dma_wait3A_457, %dma_wait3A_458, %dma_wait3A_459] : memref<2x256x128xf32, #tpu.memory_space<vmem>> -> memref<1x128x128xf32, #tpu.memory_space<vmem>>
      %dma_wait3A_461 = tpu.memref_squeeze %dma_wait3A_460 : memref<1x128x128xf32, #tpu.memory_space<vmem>> -> memref<128x128xf32, #tpu.memory_space<vmem>>
      %dma_wait3A_462 = arith.constant 0 : i32
      %dma_wait3A_463 = tpu.memref_slice %arg6[%dma_wait3A_455, %dma_wait3A_456, %dma_wait3A_462] : memref<3x2x128xi32, #tpu.memory_space<vmem>> -> memref<1x1x128xi32, #tpu.memory_space<vmem>>
      %dma_wait3A_464 = tpu.memref_squeeze %dma_wait3A_463 : memref<1x1x128xi32, #tpu.memory_space<vmem>> -> memref<128xi32, #tpu.memory_space<vmem>>
      %dma_wait3A_465 = arith.constant 0 : i32
      %dma_wait3A_466 = arith.constant 0 : i32
      %dma_wait3A_467 = tpu.memref_slice %arg3[%dma_wait3A_465, %dma_wait3A_466] : memref<100000x128xf32, #tpu.memory_space<hbm>> -> memref<100000x128xf32, #tpu.memory_space<hbm>>
      tpu.wait_indirect_dma semaphore(%arg7 : memref<!tpu.dma_semaphore, #tpu.memory_space<semaphore_mem>>) src(%dma_wait3A_467 : memref<100000x128xf32, #tpu.memory_space<hbm>>) dst(%dma_wait3A_461 : memref<128x128xf32, #tpu.memory_space<vmem>>)
      %lt3A = arith.constant 198 : i32
      %lt3A_468 = arith.cmpi slt, %scan3A_399, %lt3A : i32
      %convert_element_type3A = arith.extui %lt3A_468 : i1 to i32
      %cond3A = arith.constant 0 : i32
      %cond3A_469 = arith.cmpi ne, %convert_element_type3A, %cond3A : i32
      scf.if %cond3A_469 {
        %add3A_470 = arith.addi %mul3A_203, %scan3A_399 : i32
        %add3A_471 = arith.constant 2 : i32
        %add3A_472 = arith.addi %add3A_470, %add3A_471 : i32
        %add3A_473 = arith.constant 2 : i32
        %add3A_474 = arith.addi %scan3A_399, %add3A_473 : i32
        %rem3A_475 = arith.constant 3 : i32
        %rem3A_476 = arith.remsi %add3A_474, %rem3A_475 : i32
        %dma_start3A_477 = arith.constant 0 : i32
        %dma_start3A_478 = arith.constant 0 : i32
        %dma_start3A_479 = tpu.memref_slice %arg6[%rem3A_476, %dma_start3A_477, %dma_start3A_478] : memref<3x2x128xi32, #tpu.memory_space<vmem>> -> memref<1x2x128xi32, #tpu.memory_space<vmem>>
        %dma_start3A_480 = tpu.memref_squeeze %dma_start3A_479 : memref<1x2x128xi32, #tpu.memory_space<vmem>> -> memref<2x128xi32, #tpu.memory_space<vmem>>
        %dma_start3A_481 = arith.constant 0 : i32
        %dma_start3A_482 = arith.constant 0 : i32
        %dma_start3A_483 = tpu.memref_slice %arg2[%add3A_472, %dma_start3A_481, %dma_start3A_482] : memref<12800x2x128xi32, #tpu.memory_space<hbm>> -> memref<1x2x128xi32, #tpu.memory_space<hbm>>
        %dma_start3A_484 = tpu.memref_squeeze %dma_start3A_483 : memref<1x2x128xi32, #tpu.memory_space<hbm>> -> memref<2x128xi32, #tpu.memory_space<hbm>>
        %dma_start3A_485 = arith.constant 0 : i32
        %dma_start3A_486 = arith.constant 0 : i32
        %dma_start3A_487 = tpu.memref_slice %arg6[%rem3A_476, %dma_start3A_485, %dma_start3A_486] : memref<3x2x128xi32, #tpu.memory_space<vmem>> -> memref<1x2x128xi32, #tpu.memory_space<vmem>>
        %dma_start3A_488 = tpu.memref_squeeze %dma_start3A_487 : memref<1x2x128xi32, #tpu.memory_space<vmem>> -> memref<2x128xi32, #tpu.memory_space<vmem>>
        %dma_start3A_489 = arith.constant 0 : i32
        %dma_start3A_490 = arith.constant 0 : i32
        %dma_start3A_491 = tpu.memref_slice %arg2[%add3A_472, %dma_start3A_489, %dma_start3A_490] : memref<12800x2x128xi32, #tpu.memory_space<hbm>> -> memref<1x2x128xi32, #tpu.memory_space<hbm>>
        %dma_start3A_492 = tpu.memref_squeeze %dma_start3A_491 : memref<1x2x128xi32, #tpu.memory_space<hbm>> -> memref<2x128xi32, #tpu.memory_space<hbm>>
        tpu.enqueue_dma source(%dma_start3A_492 : memref<2x128xi32, #tpu.memory_space<hbm>>) target(%dma_start3A_488 : memref<2x128xi32, #tpu.memory_space<vmem>>) target_semaphore(%arg8 : memref<!tpu.dma_semaphore, #tpu.memory_space<semaphore_mem>>)
      } else {
      }
    }
    %scan3A_364 = arith.constant 198 : i32
    %dma_wait3A_365 = arith.constant 0 : i32
    %dma_wait3A_366 = arith.constant 0 : i32
    %dma_wait3A_367 = arith.constant 0 : i32
    %dma_wait3A_368 = arith.constant 0 : i32
    %dma_wait3A_369 = arith.constant 0 : i32
    %dma_wait3A_370 = tpu.memref_slice %arg5[%dma_wait3A_367, %dma_wait3A_368, %dma_wait3A_369] : memref<2x256x128xf32, #tpu.memory_space<vmem>> -> memref<1x128x128xf32, #tpu.memory_space<vmem>>
    %dma_wait3A_371 = tpu.memref_squeeze %dma_wait3A_370 : memref<1x128x128xf32, #tpu.memory_space<vmem>> -> memref<128x128xf32, #tpu.memory_space<vmem>>
    %dma_wait3A_372 = arith.constant 0 : i32
    %dma_wait3A_373 = tpu.memref_slice %arg6[%dma_wait3A_365, %dma_wait3A_366, %dma_wait3A_372] : memref<3x2x128xi32, #tpu.memory_space<vmem>> -> memref<1x1x128xi32, #tpu.memory_space<vmem>>
    %dma_wait3A_374 = tpu.memref_squeeze %dma_wait3A_373 : memref<1x1x128xi32, #tpu.memory_space<vmem>> -> memref<128xi32, #tpu.memory_space<vmem>>
    %dma_wait3A_375 = arith.constant 0 : i32
    %dma_wait3A_376 = arith.constant 0 : i32
    %dma_wait3A_377 = tpu.memref_slice %arg3[%dma_wait3A_375, %dma_wait3A_376] : memref<100000x128xf32, #tpu.memory_space<hbm>> -> memref<100000x128xf32, #tpu.memory_space<hbm>>
    tpu.wait_indirect_dma semaphore(%arg7 : memref<!tpu.dma_semaphore, #tpu.memory_space<semaphore_mem>>) src(%dma_wait3A_377 : memref<100000x128xf32, #tpu.memory_space<hbm>>) dst(%dma_wait3A_371 : memref<128x128xf32, #tpu.memory_space<vmem>>)
    %dma_wait3A_378 = arith.constant 0 : i32
    %dma_wait3A_379 = arith.constant 1 : i32
    %dma_wait3A_380 = arith.constant 0 : i32
    %dma_wait3A_381 = arith.constant 128 : i32
    %dma_wait3A_382 = arith.constant 0 : i32
    %dma_wait3A_383 = tpu.memref_slice %arg5[%dma_wait3A_380, %dma_wait3A_381, %dma_wait3A_382] : memref<2x256x128xf32, #tpu.memory_space<vmem>> -> memref<1x128x128xf32, #tpu.memory_space<vmem>>
    %dma_wait3A_384 = tpu.memref_squeeze %dma_wait3A_383 : memref<1x128x128xf32, #tpu.memory_space<vmem>> -> memref<128x128xf32, #tpu.memory_space<vmem>>
    %dma_wait3A_385 = arith.constant 0 : i32
    %dma_wait3A_386 = tpu.memref_slice %arg6[%dma_wait3A_378, %dma_wait3A_379, %dma_wait3A_385] : memref<3x2x128xi32, #tpu.memory_space<vmem>> -> memref<1x1x128xi32, #tpu.memory_space<vmem>>
    %dma_wait3A_387 = tpu.memref_squeeze %dma_wait3A_386 : memref<1x1x128xi32, #tpu.memory_space<vmem>> -> memref<128xi32, #tpu.memory_space<vmem>>
    %dma_wait3A_388 = arith.constant 0 : i32
    %dma_wait3A_389 = arith.constant 0 : i32
    %dma_wait3A_390 = tpu.memref_slice %arg3[%dma_wait3A_388, %dma_wait3A_389] : memref<100000x128xf32, #tpu.memory_space<hbm>> -> memref<100000x128xf32, #tpu.memory_space<hbm>>
    tpu.wait_indirect_dma semaphore(%arg7 : memref<!tpu.dma_semaphore, #tpu.memory_space<semaphore_mem>>) src(%dma_wait3A_390 : memref<100000x128xf32, #tpu.memory_space<hbm>>) dst(%dma_wait3A_384 : memref<128x128xf32, #tpu.memory_space<vmem>>)
    %mul3A_391 = arith.constant 512 : i32
    %mul3A_392 = arith.muli %add3A, %mul3A_391 : i32
    %add3A_393 = arith.constant 256 : i32
    %add3A_394 = arith.addi %mul3A_392, %add3A_393 : i32
    %run_scoped3A_395 = arith.constant 0 : i32
    %run_scoped3A_396 = arith.constant 0 : i32
    "tpu.region"() ({
      %run_scoped3A_399 = tpu.sem_alloc : memref<!tpu.dma_semaphore, #tpu.memory_space<semaphore_mem>>
      %dma_start3A_400 = arith.constant 0 : i32
      %dma_start3A_401 = arith.constant 0 : i32
      %dma_start3A_402 = tpu.memref_slice %arg5[%run_scoped3A_395, %dma_start3A_400, %dma_start3A_401] : memref<2x256x128xf32, #tpu.memory_space<vmem>> -> memref<1x256x128xf32, #tpu.memory_space<vmem>>
      %dma_start3A_403 = tpu.memref_squeeze %dma_start3A_402 : memref<1x256x128xf32, #tpu.memory_space<vmem>> -> memref<256x128xf32, #tpu.memory_space<vmem>>
      %dma_start3A_404 = arith.constant 0 : i32
      %dma_start3A_405 = tpu.memref_slice %arg4[%run_scoped3A_396, %add3A_394, %dma_start3A_404] : memref<2x16384x128xf32, #tpu.memory_space<hbm>> -> memref<1x256x128xf32, #tpu.memory_space<hbm>>
      %dma_start3A_406 = tpu.memref_squeeze %dma_start3A_405 : memref<1x256x128xf32, #tpu.memory_space<hbm>> -> memref<256x128xf32, #tpu.memory_space<hbm>>
      %dma_start3A_407 = arith.constant 0 : i32
      %dma_start3A_408 = tpu.memref_slice %arg4[%run_scoped3A_396, %add3A_394, %dma_start3A_407] : memref<2x16384x128xf32, #tpu.memory_space<hbm>> -> memref<1x256x128xf32, #tpu.memory_space<hbm>>
      %dma_start3A_409 = tpu.memref_squeeze %dma_start3A_408 : memref<1x256x128xf32, #tpu.memory_space<hbm>> -> memref<256x128xf32, #tpu.memory_space<hbm>>
      %dma_start3A_410 = arith.constant 0 : i32
      %dma_start3A_411 = arith.constant 0 : i32
      %dma_start3A_412 = tpu.memref_slice %arg5[%run_scoped3A_395, %dma_start3A_410, %dma_start3A_411] : memref<2x256x128xf32, #tpu.memory_space<vmem>> -> memref<1x256x128xf32, #tpu.memory_space<vmem>>
      %dma_start3A_413 = tpu.memref_squeeze %dma_start3A_412 : memref<1x256x128xf32, #tpu.memory_space<vmem>> -> memref<256x128xf32, #tpu.memory_space<vmem>>
      tpu.enqueue_dma source(%dma_start3A_413 : memref<256x128xf32, #tpu.memory_space<vmem>>) target(%dma_start3A_409 : memref<256x128xf32, #tpu.memory_space<hbm>>) target_semaphore(%run_scoped3A_399 : memref<!tpu.dma_semaphore, #tpu.memory_space<semaphore_mem>>)
      %dma_wait3A_414 = arith.constant 0 : i32
      %dma_wait3A_415 = arith.constant 0 : i32
      %dma_wait3A_416 = tpu.memref_slice %arg5[%run_scoped3A_395, %dma_wait3A_414, %dma_wait3A_415] : memref<2x256x128xf32, #tpu.memory_space<vmem>> -> memref<1x256x128xf32, #tpu.memory_space<vmem>>
      %dma_wait3A_417 = tpu.memref_squeeze %dma_wait3A_416 : memref<1x256x128xf32, #tpu.memory_space<vmem>> -> memref<256x128xf32, #tpu.memory_space<vmem>>
      %dma_wait3A_418 = arith.constant 0 : i32
      %dma_wait3A_419 = tpu.memref_slice %arg4[%run_scoped3A_396, %add3A_394, %dma_wait3A_418] : memref<2x16384x128xf32, #tpu.memory_space<hbm>> -> memref<1x256x128xf32, #tpu.memory_space<hbm>>
      %dma_wait3A_420 = tpu.memref_squeeze %dma_wait3A_419 : memref<1x256x128xf32, #tpu.memory_space<hbm>> -> memref<256x128xf32, #tpu.memory_space<hbm>>
      %dma_wait3A_421 = arith.constant 0 : i32
      %dma_wait3A_422 = tpu.memref_slice %arg4[%run_scoped3A_396, %add3A_394, %dma_wait3A_421] : memref<2x16384x128xf32, #tpu.memory_space<hbm>> -> memref<1x256x128xf32, #tpu.memory_space<hbm>>
      %dma_wait3A_423 = tpu.memref_squeeze %dma_wait3A_422 : memref<1x256x128xf32, #tpu.memory_space<hbm>> -> memref<256x128xf32, #tpu.memory_space<hbm>>
      %dma_wait3A_424 = arith.constant 0 : i32
      %dma_wait3A_425 = arith.constant 0 : i32
      %dma_wait3A_426 = tpu.memref_slice %arg5[%run_scoped3A_395, %dma_wait3A_424, %dma_wait3A_425] : memref<2x256x128xf32, #tpu.memory_space<vmem>> -> memref<1x256x128xf32, #tpu.memory_space<vmem>>
      %dma_wait3A_427 = tpu.memref_squeeze %dma_wait3A_426 : memref<1x256x128xf32, #tpu.memory_space<vmem>> -> memref<256x128xf32, #tpu.memory_space<vmem>>
      tpu.wait_dma2 semaphore(%run_scoped3A_399 : memref<!tpu.dma_semaphore, #tpu.memory_space<semaphore_mem>>) src(%dma_wait3A_427 : memref<256x128xf32, #tpu.memory_space<vmem>>) dst(%dma_wait3A_423 : memref<256x128xf32, #tpu.memory_space<hbm>>)
      tpu.yield
    }) : () -> ()
    %run_scoped3A_397 = arith.constant 1 : i32
    %run_scoped3A_398 = arith.constant 1 : i32
    "tpu.region"() ({
      %run_scoped3A_399 = tpu.sem_alloc : memref<!tpu.dma_semaphore, #tpu.memory_space<semaphore_mem>>
      %dma_start3A_400 = arith.constant 0 : i32
      %dma_start3A_401 = arith.constant 0 : i32
      %dma_start3A_402 = tpu.memref_slice %arg5[%run_scoped3A_397, %dma_start3A_400, %dma_start3A_401] : memref<2x256x128xf32, #tpu.memory_space<vmem>> -> memref<1x256x128xf32, #tpu.memory_space<vmem>>
      %dma_start3A_403 = tpu.memref_squeeze %dma_start3A_402 : memref<1x256x128xf32, #tpu.memory_space<vmem>> -> memref<256x128xf32, #tpu.memory_space<vmem>>
      %dma_start3A_404 = arith.constant 0 : i32
      %dma_start3A_405 = tpu.memref_slice %arg4[%run_scoped3A_398, %add3A_394, %dma_start3A_404] : memref<2x16384x128xf32, #tpu.memory_space<hbm>> -> memref<1x256x128xf32, #tpu.memory_space<hbm>>
      %dma_start3A_406 = tpu.memref_squeeze %dma_start3A_405 : memref<1x256x128xf32, #tpu.memory_space<hbm>> -> memref<256x128xf32, #tpu.memory_space<hbm>>
      %dma_start3A_407 = arith.constant 0 : i32
      %dma_start3A_408 = tpu.memref_slice %arg4[%run_scoped3A_398, %add3A_394, %dma_start3A_407] : memref<2x16384x128xf32, #tpu.memory_space<hbm>> -> memref<1x256x128xf32, #tpu.memory_space<hbm>>
      %dma_start3A_409 = tpu.memref_squeeze %dma_start3A_408 : memref<1x256x128xf32, #tpu.memory_space<hbm>> -> memref<256x128xf32, #tpu.memory_space<hbm>>
      %dma_start3A_410 = arith.constant 0 : i32
      %dma_start3A_411 = arith.constant 0 : i32
      %dma_start3A_412 = tpu.memref_slice %arg5[%run_scoped3A_397, %dma_start3A_410, %dma_start3A_411] : memref<2x256x128xf32, #tpu.memory_space<vmem>> -> memref<1x256x128xf32, #tpu.memory_space<vmem>>
      %dma_start3A_413 = tpu.memref_squeeze %dma_start3A_412 : memref<1x256x128xf32, #tpu.memory_space<vmem>> -> memref<256x128xf32, #tpu.memory_space<vmem>>
      tpu.enqueue_dma source(%dma_start3A_413 : memref<256x128xf32, #tpu.memory_space<vmem>>) target(%dma_start3A_409 : memref<256x128xf32, #tpu.memory_space<hbm>>) target_semaphore(%run_scoped3A_399 : memref<!tpu.dma_semaphore, #tpu.memory_space<semaphore_mem>>)
      %dma_wait3A_414 = arith.constant 0 : i32
      %dma_wait3A_415 = arith.constant 0 : i32
      %dma_wait3A_416 = tpu.memref_slice %arg5[%run_scoped3A_397, %dma_wait3A_414, %dma_wait3A_415] : memref<2x256x128xf32, #tpu.memory_space<vmem>> -> memref<1x256x128xf32, #tpu.memory_space<vmem>>
      %dma_wait3A_417 = tpu.memref_squeeze %dma_wait3A_416 : memref<1x256x128xf32, #tpu.memory_space<vmem>> -> memref<256x128xf32, #tpu.memory_space<vmem>>
      %dma_wait3A_418 = arith.constant 0 : i32
      %dma_wait3A_419 = tpu.memref_slice %arg4[%run_scoped3A_398, %add3A_394, %dma_wait3A_418] : memref<2x16384x128xf32, #tpu.memory_space<hbm>> -> memref<1x256x128xf32, #tpu.memory_space<hbm>>
      %dma_wait3A_420 = tpu.memref_squeeze %dma_wait3A_419 : memref<1x256x128xf32, #tpu.memory_space<hbm>> -> memref<256x128xf32, #tpu.memory_space<hbm>>
      %dma_wait3A_421 = arith.constant 0 : i32
      %dma_wait3A_422 = tpu.memref_slice %arg4[%run_scoped3A_398, %add3A_394, %dma_wait3A_421] : memref<2x16384x128xf32, #tpu.memory_space<hbm>> -> memref<1x256x128xf32, #tpu.memory_space<hbm>>
      %dma_wait3A_423 = tpu.memref_squeeze %dma_wait3A_422 : memref<1x256x128xf32, #tpu.memory_space<hbm>> -> memref<256x128xf32, #tpu.memory_space<hbm>>
      %dma_wait3A_424 = arith.constant 0 : i32
      %dma_wait3A_425 = arith.constant 0 : i32
      %dma_wait3A_426 = tpu.memref_slice %arg5[%run_scoped3A_397, %dma_wait3A_424, %dma_wait3A_425] : memref<2x256x128xf32, #tpu.memory_space<vmem>> -> memref<1x256x128xf32, #tpu.memory_space<vmem>>
      %dma_wait3A_427 = tpu.memref_squeeze %dma_wait3A_426 : memref<1x256x128xf32, #tpu.memory_space<vmem>> -> memref<256x128xf32, #tpu.memory_space<vmem>>
      tpu.wait_dma2 semaphore(%run_scoped3A_399 : memref<!tpu.dma_semaphore, #tpu.memory_space<semaphore_mem>>) src(%dma_wait3A_427 : memref<256x128xf32, #tpu.memory_space<vmem>>) dst(%dma_wait3A_423 : memref<256x128xf32, #tpu.memory_space<hbm>>)
      tpu.yield
    }) : () -> ()
    return
  }
}

module attributes {stable_mosaic.version = 14 : i64} {
  func.func @_mlp_body(%arg0: i32, %arg1: memref<1x2048x128xf32, #tpu.memory_space<vmem>>, %arg2: memref<1x2048x128xf32, #tpu.memory_space<vmem>>, %arg3: memref<128x64xf32, #tpu.memory_space<vmem>>, %arg4: memref<1x64xf32, #tpu.memory_space<vmem>>, %arg5: memref<64x2xf32, #tpu.memory_space<vmem>>, %arg6: memref<1x2xf32, #tpu.memory_space<vmem>>, %arg7: memref<2048x2xf32, #tpu.memory_space<vmem>>) attributes {dimension_semantics = [#tpu.dimension_semantics<arbitrary>], iteration_bounds = array<i64: 8>, scalar_prefetch = 0 : i64, scratch_operands = 0 : i64, tpu.core_type = #tpu.core_type<tc>, window_params = [{transform_indices = @transform_0, window_bounds = array<i64: 1, 2048, 128>}, {transform_indices = @transform_1, window_bounds = array<i64: 1, 2048, 128>}, {pipeline_mode = #tpu.pipeline_mode<synchronous>, transform_indices = @transform_2, window_bounds = array<i64: 128, 64>}, {pipeline_mode = #tpu.pipeline_mode<synchronous>, transform_indices = @transform_3, window_bounds = array<i64: 1, 64>}, {pipeline_mode = #tpu.pipeline_mode<synchronous>, transform_indices = @transform_4, window_bounds = array<i64: 64, 2>}, {pipeline_mode = #tpu.pipeline_mode<synchronous>, transform_indices = @transform_5, window_bounds = array<i64: 1, 2>}, {transform_indices = @transform_6, window_bounds = array<i64: 2048, 2>}]} {
    %get3A = arith.constant 0 : index
    %get3A_0 = arith.constant 0 : index
    %get3A_1 = arith.constant 0 : index
    %get3A_2 = vector.load %arg1[%get3A, %get3A_0, %get3A_1] : memref<1x2048x128xf32, #tpu.memory_space<vmem>>, vector<1x2048x128xf32>
    %get3A_3 = vector.shape_cast %get3A_2 : vector<1x2048x128xf32> to vector<2048x128xf32>
    %get3A_4 = arith.constant 0 : index
    %get3A_5 = arith.constant 0 : index
    %get3A_6 = arith.constant 0 : index
    %get3A_7 = vector.load %arg2[%get3A_4, %get3A_5, %get3A_6] : memref<1x2048x128xf32, #tpu.memory_space<vmem>>, vector<1x2048x128xf32>
    %get3A_8 = vector.shape_cast %get3A_7 : vector<1x2048x128xf32> to vector<2048x128xf32>
    %add3A = arith.addf %get3A_3, %get3A_8 : vector<2048x128xf32>
    %get3A_9 = arith.constant 0 : index
    %get3A_10 = arith.constant 0 : index
    %get3A_11 = vector.load %arg3[%get3A_9, %get3A_10] : memref<128x64xf32, #tpu.memory_space<vmem>>, vector<128x64xf32>
    %dot_general3A = arith.constant dense<0.000000e+00> : vector<2048x64xf32>
    %dot_general3A_12 = tpu.matmul %add3A, %get3A_11, %dot_general3A {dimension_numbers = #tpu.dot_dimension_numbers<[1], [0], [0], [1], [0, 0, 1, 1], [], []>, transpose_lhs_hint = false} : vector<2048x128xf32>, vector<128x64xf32>, vector<2048x64xf32> -> vector<2048x64xf32>
    %get3A_13 = arith.constant 0 : index
    %get3A_14 = arith.constant 0 : index
    %get3A_15 = vector.load %arg4[%get3A_13, %get3A_14] : memref<1x64xf32, #tpu.memory_space<vmem>>, vector<1x64xf32>
    %add3A_16 = vector.broadcast %get3A_15 : vector<1x64xf32> to vector<2048x64xf32>
    %add3A_17 = arith.addf %dot_general3A_12, %add3A_16 : vector<2048x64xf32>
    %max3A = arith.constant 0.000000e+00 : f32
    %max3A_18 = vector.broadcast %max3A : f32 to vector<2048x64xf32>
    %max3A_19 = arith.maximumf %add3A_17, %max3A_18 : vector<2048x64xf32>
    %get3A_20 = arith.constant 0 : index
    %get3A_21 = arith.constant 0 : index
    %get3A_22 = vector.load %arg5[%get3A_20, %get3A_21] : memref<64x2xf32, #tpu.memory_space<vmem>>, vector<64x2xf32>
    %dot_general3A_23 = arith.constant dense<0.000000e+00> : vector<2048x2xf32>
    %dot_general3A_24 = tpu.matmul %max3A_19, %get3A_22, %dot_general3A_23 {dimension_numbers = #tpu.dot_dimension_numbers<[1], [0], [0], [1], [0, 0, 1, 1], [], []>, transpose_lhs_hint = false} : vector<2048x64xf32>, vector<64x2xf32>, vector<2048x2xf32> -> vector<2048x2xf32>
    %get3A_25 = arith.constant 0 : index
    %get3A_26 = arith.constant 0 : index
    %get3A_27 = vector.load %arg6[%get3A_25, %get3A_26] : memref<1x2xf32, #tpu.memory_space<vmem>>, vector<1x2xf32>
    %add3A_28 = vector.broadcast %get3A_27 : vector<1x2xf32> to vector<2048x2xf32>
    %add3A_29 = arith.addf %dot_general3A_24, %add3A_28 : vector<2048x2xf32>
    %swap3A = arith.constant 0 : index
    %swap3A_30 = arith.constant 0 : index
    %swap3A_31 = vector.load %arg7[%swap3A, %swap3A_30] : memref<2048x2xf32, #tpu.memory_space<vmem>>, vector<2048x2xf32>
    tpu.vector_store %arg7[%swap3A, %swap3A_30], %add3A_29 {strides = array<i32>} : memref<2048x2xf32, #tpu.memory_space<vmem>>, vector<2048x2xf32>,
    return
  }
  func.func @transform_0(%arg0: i32) -> (i32, i32, i32) {
    %c0_i32 = arith.constant 0 : i32
    %c0_i32_0 = arith.constant 0 : i32
    %c0_i32_1 = arith.constant 0 : i32
    return %c0_i32, %arg0, %c0_i32_0 : i32, i32, i32
  }
  func.func @transform_1(%arg0: i32) -> (i32, i32, i32) {
    %c1_i32 = arith.constant 1 : i32
    %c0_i32 = arith.constant 0 : i32
    %c0_i32_0 = arith.constant 0 : i32
    return %c1_i32, %arg0, %c0_i32 : i32, i32, i32
  }
  func.func @transform_2(%arg0: i32) -> (i32, i32) {
    %c0_i32 = arith.constant 0 : i32
    %c0_i32_0 = arith.constant 0 : i32
    %c0_i32_1 = arith.constant 0 : i32
    return %c0_i32, %c0_i32_0 : i32, i32
  }
  func.func @transform_3(%arg0: i32) -> (i32, i32) {
    %c0_i32 = arith.constant 0 : i32
    %c0_i32_0 = arith.constant 0 : i32
    %c0_i32_1 = arith.constant 0 : i32
    return %c0_i32, %c0_i32_0 : i32, i32
  }
  func.func @transform_4(%arg0: i32) -> (i32, i32) {
    %c0_i32 = arith.constant 0 : i32
    %c0_i32_0 = arith.constant 0 : i32
    %c0_i32_1 = arith.constant 0 : i32
    return %c0_i32, %c0_i32_0 : i32, i32
  }
  func.func @transform_5(%arg0: i32) -> (i32, i32) {
    %c0_i32 = arith.constant 0 : i32
    %c0_i32_0 = arith.constant 0 : i32
    %c0_i32_1 = arith.constant 0 : i32
    return %c0_i32, %c0_i32_0 : i32, i32
  }
  func.func @transform_6(%arg0: i32) -> (i32, i32) {
    %c0_i32 = arith.constant 0 : i32
    %c0_i32_0 = arith.constant 0 : i32
    return %arg0, %c0_i32 : i32, i32
  }
}

</mosaic_0001>

<sc_bundles>
// kernel: kernel.4.cloned.1.call-start
scs
__scs_entry_jumppad:
0x0: {  	(pc) =	sbr.rel $0x88, $3  }
0x1: {  	(tag) =	ssettag $0x0;
	lr =	simm.s32 $0x1  }
0x2: {  	[smem:$0x3F9B] =	sst lr;
	_ =	strace $0xD0000000  }
0x3: {  	_ = 	snop  }
0x4: {  	_ = 	snop  }
0x5: {  	_ = 	snop  }
0x6: {  	_ = 	snop  }
0x7: {  	_ = 	snop  }
__scs_overlays_trampoline_lowered:
0x8: {  	[smem:$0x3FAA] =	sst s0  }
0x9: {  	[smem:$0x3FAB] =	sst s1  }
0xa: {  	[smem:$0x3FAC] =	sst s2  }
0xb: {  	[smem:$0x3FAD] =	sst s3  }
0xc: {  	[smem:$0x3FAE] =	sst s4  }
0xd: {  	[smem:$0x3FAF] =	sst s5  }
0xe: {  	[smem:$0x3FB0] =	sst s6  }
0xf: {  	[smem:$0x3FB1] =	sst s7  }
0x10: {  	[smem:$0x3FB2] =	sst s8  }
0x11: {  	[smem:$0x3FB3] =	sst s9;
	s0 =	simm.s32 @!p0 $0x0  }
0x12: {  	s1 =	sld [smem:$0x3F99];
	s0 =	simm.s32 @p0 $0x1  }
0x13: {  	[smem:$0x3FB4] =	sst s0;
	s0 =	simm.s32 @!p1 $0x0  }
0x14: {  	s2 =	sld [smem:$0x3F98];
	s0 =	simm.s32 @p1 $0x1  }
0x15: {  	[smem:$0x3FB5] =	sst s0;
	s0 =	simm.s32 @!p2 $0x0  }
0x16: {  	s3 =	sld [smem:$0x3FDB];
	s0 =	simm.s32 @p2 $0x1  }
0x17: {  	s4 =	simm.s32 $0x1BF5;
	[smem:$0x3FB7] =	sst s0  }
0x18: {  	s0 =	sld [smem:$0x3F9A];
	_ =	swait.ge [sflag:s4], $0x0  }
0x19: {  	s7 =	sld [smem:$0x3F9B]  }
0x1a: {  	s8 =	sadd.s32 $0xFFFFE003, lr  }
0x1b: {  	s9 =	sadd.s32 $0xFFFFFEF7, lr;
	s5 =	simm.s32 $0xFFFFFFFF;
	p2 =	slt.u32 s8, $0xFFFFF086  }
0x1c: {  	p1 =	slt.u32 s9, $0xF7A;
	s5 =	simm.s32 @!p2 $0x0  }
0x1d: {  	s5 =	simm.s32 @p1 $0x1;
	p0 =	seq.s32 s7, s2  }
0x1e: {  	s7 =	smul.u32 @!p0 $0xF7A, s2;
	p2 =	seq.s32 @!p0 s5, $0x0  }
0x1f: {  	s9 =	smul.u32 $0xF7A, s1;
	s8 =	simm.s32 @!p0 $0x1BF5;
	p2 =	por !p2, p0  }
0x20: {  	[sflag:s8] =	ssyncset.s32 @!p0 $0xFFFFF086;
	s6 =	sadd.s32 @!p0 s3, s7;
	s7 =	simm.s32 @!p0 $0x108  }
0x21: {  	s3 =	sadd.s32 s3, s9;
	s6 =	sadd.s32 @!p0 $0x88, s6;
	s7 =	simm.s32 @p2 $0x1082  }
0x22: {  	[simem:s7], [sflag:s8] =	dma.local @!p0 [hbm:s6], $0xF7A  }
0x23: {  	s9 =	sor.u32 $0xD0000000, s2;
	s6 =	simm.s32 $0x108;
	_ =	swait.ge @!p0 [sflag:s8], $0x0  }
0x24: {  	s3 =	sadd.s32 $0x88, s3;
	s6 =	simm.s32 @!p1 $0x1082;
	[sflag:s4] =	ssyncset.s32 $0xFFFFF086  }
0x25: {  	[simem:s6], [sflag:s4] =	dma.local [hbm:s3], $0xF7A  }
0x26: {  	[smem:$0x3F9B] =	sst s1;
	(tag) =	ssettag s2;
	_ =	strace s9  }
0x27: {  	s1 =	sld [smem:$0x3FAB]  }
0x28: {  	s2 =	sld [smem:$0x3FAC]  }
0x29: {  	s4 =	sld [smem:$0x3FAE]  }
0x2a: {  	p0 =	seq.s32 s5, $0x0;
	s5 =	sld [smem:$0x3FAF]  }
0x2b: {  	s6 =	sld [smem:$0x3FB0]  }
0x2c: {  	s7 =	sld [smem:$0x3FB1]  }
0x2d: {  	s3 =	simm.s32 $0x108;
	s8 =	sld [smem:$0x3FB2]  }
0x2e: {  	s3 =	simm.s32 @!p0 $0x1082;
	s9 =	sld [smem:$0x3FB3]  }
0x2f: {  	lr =	sadd.s32 s0, s3;
	s0 =	sld [smem:$0x3FAA]  }
0x30: {  	s3 =	sld [smem:$0x3FAD]  }
0x31: {  	[smem:$0x3FB6] =	sst s10  }
0x32: {  	s10 =	sld [smem:$0x3FB4];
	_ =	sdelay $0x3  }
0x33: {  	p0 =	seq.s32 s10, $0x1;
	s10 =	sld [smem:$0x3FB6];
	_ =	sdelay $0x3  }
0x34: {  	[smem:$0x3FB6] =	sst s10  }
0x35: {  	s10 =	sld [smem:$0x3FB5];
	_ =	sdelay $0x3  }
0x36: {  	p1 =	seq.s32 s10, $0x1;
	s10 =	sld [smem:$0x3FB6];
	_ =	sdelay $0x3  }
0x37: {  	[smem:$0x3FB6] =	sst s10  }
0x38: {  	s10 =	sld [smem:$0x3FB7]  }
0x39: {  	_ = 	snop;
	(pc) =	sbr.ind lr, $3  }
0x3a: {  	_ = 	snop  }
0x3b: {  	_ = 	snop  }
0x3c: {  	p2 =	seq.s32 s10, $0x1;
	s10 =	sld [smem:$0x3FB6]  }
0x3d: {  	_ =	shalt  }
0x3e: {  	_ =	shalt  }
0x3f: {  	_ =	shalt  }
0x40: {  	_ =	shalt  }
0x41: {  	_ =	shalt  }
0x42: {  	_ =	shalt  }
0x43: {  	_ =	shalt  }
0x44: {  	_ =	shalt  }
0x45: {  	_ =	shalt  }
0x46: {  	_ =	shalt  }
0x47: {  	_ =	shalt  }
0x48: {  	_ =	shalt  }
0x49: {  	_ =	shalt  }
0x4a: {  	_ =	shalt  }
0x4b: {  	_ =	shalt  }
0x4c: {  	_ =	shalt  }
0x4d: {  	_ =	shalt  }
0x4e: {  	_ =	shalt  }
0x4f: {  	_ =	shalt  }
0x50: {  	_ =	shalt  }
0x51: {  	_ =	shalt  }
0x52: {  	_ =	shalt  }
0x53: {  	_ =	shalt  }
0x54: {  	_ =	shalt  }
0x55: {  	_ =	shalt  }
0x56: {  	_ =	shalt  }
0x57: {  	_ =	shalt  }
0x58: {  	_ =	shalt  }
0x59: {  	_ =	shalt  }
0x5a: {  	_ =	shalt  }
0x5b: {  	_ =	shalt  }
0x5c: {  	_ =	shalt  }
0x5d: {  	_ =	shalt  }
0x5e: {  	_ =	shalt  }
0x5f: {  	_ =	shalt  }
0x60: {  	_ =	shalt  }
0x61: {  	_ =	shalt  }
0x62: {  	_ =	shalt  }
0x63: {  	_ =	shalt  }
0x64: {  	_ =	shalt  }
0x65: {  	_ =	shalt  }
0x66: {  	_ =	shalt  }
0x67: {  	_ =	shalt  }
0x68: {  	_ =	shalt  }
0x69: {  	_ =	shalt  }
0x6a: {  	_ =	shalt  }
0x6b: {  	_ =	shalt  }
0x6c: {  	_ =	shalt  }
0x6d: {  	_ =	shalt  }
0x6e: {  	_ =	shalt  }
0x6f: {  	_ =	shalt  }
0x70: {  	_ =	shalt  }
0x71: {  	_ =	shalt  }
0x72: {  	_ =	shalt  }
0x73: {  	_ =	shalt  }
0x74: {  	_ =	shalt  }
0x75: {  	_ =	shalt  }
0x76: {  	_ =	shalt  }
0x77: {  	_ =	shalt  }
0x78: {  	_ =	shalt  }
0x79: {  	_ =	shalt  }
0x7a: {  	_ =	shalt  }
0x7b: {  	_ =	shalt  }
0x7c: {  	_ =	shalt  }
0x7d: {  	_ =	shalt  }
0x7e: {  	_ =	shalt  }
0x7f: {  	_ =	shalt  }
0x80: {  	_ =	shalt  }
0x81: {  	_ =	shalt  }
0x82: {  	_ =	shalt  }
0x83: {  	_ =	shalt  }
0x84: {  	_ =	shalt  }
0x85: {  	_ =	shalt  }
0x86: {  	_ =	shalt  }
0x87: {  	_ =	shalt  }
.Lfunc_end0:
.L_simem_size_0:
called_computation_lowered:
.L_overlay_start_0:
0x88: {  	s2 =	sld [smem:$0x3FD9]  }
0x89: {  	s3 =	sld [smem:$0x3FFE];
	_ =	sdelay $0x1  }
0x8a: {  	s1 =	srdreg.scid  }
0x8b: {  	s0 =	sand.u32 $0x1, s1  }
0x8c: {  	s17 =	sshll.u32 s0, $0xA;
	s2 =	sadd.s32 s3, s2  }
0x8d: {  	s2 =	sadd.s32 s2, s17  }
0x8e: {  	[smem:$0x3FC2] =	sst s2  }
0x8f: {  	_ = 	snop  }
0x90: {  	s2 =	sld [smem:$0x3FC8];
	(tm) =	ssettm $0x1  }
0x91: {  	s18 =	sld [smem:$0x3FFB];
	_ =	sdelay $0x3  }
0x92: {  	_ =	strace s18  }
0x93: {  	s3 =	sld [smem:$0x3FFC];
	_ =	sdelay $0x3  }
0x94: {  	_ =	strace s3  }
0x95: {  	s3 =	sld [smem:$0x3FFD];
	_ =	sdelay $0x3  }
0x96: {  	_ =	strace s3  }
0x97: {  	_ =	strace $0x8FFFFFFF  }
0x98: {  	s19 =	sld [smem:$0x3FDB];
	_ =	sdelay $0x1  }
0x99: {  	s4 =	simm.s32 $_scs_section_size  }
0x9a: {  	s5 =	simm.s32 $_size__tile_overlayer_lowered;
	s6 =	simm.s32 $_tile_overlayer_lowered  }
0x9b: {  	s22 =	simm.s32 $0x1BFF;
	s21 =	sshll.u32 s6, $0x1;
	s3 =	sadd.s32 s4, s19  }
0x9c: {  	s7 =	simm.s32 $0x0;
	s20 =	sshll.u32 s5, $0x1;
	s5 =	sadd.s32 s21, s3  }
0x9d: {  	[timem:s7], [sflag:s22] =	dma.local [hbm:s5], s20  }
0x9e: {  	_ =	swait.ge [sflag:s22], s20  }
0x9f: {  	s4 =	ssub.s32 $0x0, s20;
	[sflag:s22] =	ssyncset.done $0x0  }
0xa0: {  	[sflag:s22] =	ssyncadd.s32 s4;
	_ =	sdelay $0x1  }
0xa1: {  	s23 =	simm.s32 $0x1B8B  }
0xa2: {  	_ =	swait.ge [sflag:s23], $0x1  }
0xa3: {  	[sflag:s23] =	ssyncset.done $0x0  }
0xa4: {  	s25 =	simm.s32 $0x1B8E;
	s24 =	sld [smem:$0x3FFE];
	[sflag:s23] =	ssyncadd.s32 $0xFFFFFFFF  }
0xa5: {  	s26 =	simm.s32 $execute0_lowered;
	[smem:$0x3FD2] =	sst s25  }
0xa6: {  	s5 =	sshll.u32 s26, $0x1;
	_ =	strace $0x80000046;
	[dreg:$0x1] =	wrdreg $0xFFFFFFFF  }
0xa7: {  	s28 =	simm.s32 $_size_execute0_lowered;
	s3 =	sadd.s32 s3, s5;
	[dreg:$0x0] =	wrdreg $0x0  }
0xa8: {  	s5 =	sshll.u32 s28, $0x1;
	[dreg:$0x2] =	wrdreg s3  }
0xa9: {  	[dreg:$0x3] =	wrdreg s5  }
0xaa: {  	[dreg:$0x4] =	wrdreg $0xC0  }
0xab: {  	_ =	task [dreg:s7], $0x5FFFF  }
0xac: {  	[dreg:$0x1] =	wrdreg $0xFFFFFFFF  }
0xad: {  	[dreg:$0x0] =	wrdreg $0x60  }
0xae: {  	[dreg:$0x2] =	wrdreg s24  }
0xaf: {  	[dreg:$0x3] =	wrdreg s2  }
0xb0: {  	[dreg:$0x4] =	wrdreg $0x9  }
0xb1: {  	_ =	task.clear_ibuf [dreg:s7], $0x5FFFF;
	_ =	strace $0x90000046  }
0xb2: {  	s29 =	simm.s32 $0x9;
	_ =	strace $0x80000048  }
0xb3: {  	_ =	swait.ge [sflag:s29], $0x1  }
0xb4: {  	[sflag:s29] =	ssyncadd.s32 $0xFFFFFFFF  }
0xb5: {  	_ =	strace $0x90000048  }
0xb6: {  	_ =	sfence  }
0xb7: {  	s30 =	sld [smem:$0x0];
	_ =	sdelay $0x2  }
0xb8: {  	s31 =	sshll.u32 s1, $0xD;
	s1 =	sshrl.u32 s1, $0x2  }
0xb9: {  	s3 =	sand.u32 $0x4000, s31;
	s1 =	sadd.s32 s1, s30  }
0xba: {  	s0 =	sor.u32 s3, s0;
	s1 =	sshll.u32 s1, $0x11  }
0xbb: {  	s0 =	sor.u32 s1, s0  }
0xbc: {  	s0 =	sadd.s32 $0x8F2B, s0  }
0xbd: {  	[sflag:s0] =	ssyncadd.remote.s32 $0x1  }
0xbe: {  	_ =	sfence.sel $0xFFFF  }
0xbf: {  	[dreg:$0x0] =	wrdreg $0xFFFFFFFF;
	(pc) =	sbr.abs _section_cstart, $3  }
0xc0: {  	[dreg:$0x1] =	wrdreg $0xFFFFFFFF  }
0xc1: {  	_ =	task.clear_ibuf [dreg:s7], $0x2FFFF;
	_ =	strace $0x9FFFFFFF  }
0xc2: {  	(tm) =	ssettm $0x7FFFFFFF  }
0xc3: {  	_ =	shalt  }
tec
execute0_lowered:
.L_overlay_start_1:
0x0: {  	(tag) =	ssettag $0x1  }
0x1: {  	s0 =	rddreg [dreg:$0x0]  }
0x2: {  	s2 =	rddreg [dreg:$0x1]  }
0x3: {  	s1 =	srdreg.scid;
	s10 =	stileid.u32;
	s3 =	simm.s32 $0x0  }
0x4: {  	s28 =	simm.s32 $0xC000;
	s29 =	simm.s32 $0x1;
	s30 =	simm.s32 $0x2  }
0x5: {  	s31 =	simm.s32 $0x0;
	s1 =	sand.u32 $0x1, s1;
	s4 =	sshll.u32 s10, $0x1  }
0x6: {  	[smem:$0x7FF] =	sst s3;
	s7 =	sadd.s32 $0xC00, s0;
	s21 =	smul.u32 $0x6400, s10  }
0x7: {  	s5 =	sor.u32 s1, s4;
	s8 =	ssub.s32 $0x2, s1;
	s1 =	smul.u32 $0x3200, s1  }
0x8: {  	_ =	strace $0x80000047;
	s4 =	sshll.u32 s5, $0xD;
	s6 =	smul.u32 $0x3200, s5  }
0x9: {  	s9 =	sshrl.u32 s8, $0x1;
	s5 =	smul.u32 $0x19000, s5;
	s25 =	sadd.s32 s21, s7  }
0xa: {  	s21 =	simm.s32 $0x10200;
	s0 =	sadd.s32 s4, s0;
	s12 =	ssub.s32 s8, s9  }
0xb: {  	s26 =	sadd.s32 s1, s25;
	s25 =	simm.s32 $0x8000;
	s4 =	sadd.s32 s7, s6  }
0xc: {  	s19 =	sadd.s32 $0x64C00, s0;
	s5 =	sshrl.u32 s5, $0x3;
	s20 =	sadd.s32 $0xA4C00, s0  }
0xd: {  	s14 =	sadd.s32 $0x65C00, s0;
	s15 =	sadd.s32 $0xA5C00, s0;
	[dreg:$0x6] =	wrdreg s19  }
0xe: {  	s16 =	sadd.s32 $0x20, s4;
	s17 =	sadd.s32 $0x40, s4;
	[dreg:$0x7] =	wrdreg s20  }
0xf: {  	s18 =	sadd.s32 $0x60, s4;
	s5 =	sadd.s32 s7, s5;
	[dreg:$0x3] =	wrdreg s16  }
0x10: {  	s22 =	sadd.s32 $0x1900, s4;
	s7 =	sadd.s32 $0x80, s26;
	[dreg:$0x4] =	wrdreg s17  }
0x11: {  	s19 =	simm.s32 $0x3;
	s20 =	simm.s32 $0x10100;
	[dreg:$0x5] =	wrdreg s18  }
0x12: {  	[dreg:$0x8] =	wrdreg s22;
	s23 =	sadd.s32 $0x1920, s5;
	s24 =	sadd.s32 $0x1940, s5  }
0x13: {  	s13 =	sadd.s32 $0x1960, s5;
	s16 =	smax.u32 s12, $0x1;
	s18 =	sadd.s32 $0x1980, s26  }
0x14: {  	s22 =	simm.s32 $0x80;
	s26 =	simm.s32 $0x10180;
	[dreg:$0x9] =	wrdreg s23  }
0x15: {  	[dreg:$0xa] =	wrdreg s24;
	s23 =	simm.s32 $0x10080;
	s24 =	simm.s32 $0x4000  }
.LBB2_1:
0x16: {  	s0 =	simm.s32 $0x10000  }
0x17: {  	[tilespmem:s0], [sflag:$0x3] =	stream.linear.gather [hbm4b:s4+s3], $0x100, $0x38;
	[tilespmem:$0x10300] =	vst v63  }
0x18: {  	_ =	swait.ge [sflag:s19], $0x100  }
0x19: {  	[sflag:s19] =	ssyncset.done $0x0  }
0x1a: {  	s1 =	rddreg [dreg:$0x3];
	[sflag:s19] =	ssyncadd.s32 $0xFFFFFF00  }
0x1b: {  	[tilespmem:s20], [sflag:$0x2] =	stream.linear.gather [hbm4b:s1+s3], $0x100, $0x38;
	[tilespmem:$0x10300] =	vst v63  }
0x1c: {  	s10 =	rddreg [dreg:$0x4]  }
0x1d: {  	[tilespmem:s21], [sflag:$0x2] =	stream.linear.gather [hbm4b:s10+s3], $0x100, $0x38;
	[tilespmem:$0x10300] =	vst v63  }
0x1e: {  	_ = 	snop  }
0x1f: {  	[tilespmem:s3], [sflag:$0x1] =	stream.indirect.gather [hbm4b:s2+s22], $0x80, s0, s22, $0xb8;
	[tilespmem:$0x10300] =	vst v63  }
0x20: {  	_ = 	snop  }
0x21: {  	[tilespmem:s24], [sflag:$0x1] =	stream.indirect.gather [hbm4b:s2+s22], $0x80, s23, s22, $0xb8;
	[tilespmem:$0x10300] =	vst v63  }
0x22: {  	_ =	swait.ge [sflag:s30], $0x100  }
0x23: {  	p0 =	por $0x0, $0x0;
	[sflag:s30] =	ssyncset.done $0x0  }
0x24: {  	s6 =	simm.s32 @!p0 $0x4;
	[sflag:s30] =	ssyncadd.s32 $0xFFFFFF00  }
0x25: {  	[tilespmem:s25], [sflag:$0x1] =	stream.indirect.gather [hbm4b:s2+s22], $0x80, s20, s22, $0xb8;
	[tilespmem:$0x10300] =	vst v63  }
0x26: {  	s11 =	smul.u32 $0xAB, s30;
	s6 =	sand.u32 @!p0 $0xFF, s6;
	p0 =	por p0, p0  }
0x27: {  	[tilespmem:s28], [sflag:$0x1] =	stream.indirect.gather [hbm4b:s2+s22], $0x80, s26, s22, $0xb8;
	[tilespmem:$0x10300] =	vst v63  }
0x28: {  	s6 =	smul.u32 @!p0 $0xAB, s6;
	s1 =	sshrl.u32 s11, $0x9;
	_ =	swait.ge [sflag:s29], $0x4000  }
0x29: {  	s1 =	sand.u32 $0x7F, s1;
	[sflag:s29] =	ssyncset.done $0x0  }
0x2a: {  	s6 =	sshrl.u32 @!p0 s6, $0x9;
	s5 =	smul.u32 $0x3, s1;
	[sflag:s29] =	ssyncadd.s32 $0xFFFFC000  }
0x2b: {  	s9 =	smul.u32 @!p0 $0x3, s6;
	s6 =	simm.s32 $0x4;
	_ =	swait.ge [sflag:s29], $0x4000  }
0x2c: {  	s1 =	simm.s32 $0x3;
	s5 =	ssub.s32 $0x2, s5;
	[sflag:s29] =	ssyncset.done $0x0  }
0x2d: {  	s5 =	sand.u32 $0xFF, s5;
	s12 =	rddreg [dreg:$0x5];
	[sflag:s29] =	ssyncadd.s32 $0xFFFFC000  }
0x2e: {  	[tilespmem:s0], [sflag:$0x2] =	stream.linear.gather [hbm4b:s12+s3], $0x100, $0x38;
	[tilespmem:$0x10300] =	vst v63  }
0x2f: {  	s17 =	smul.u32 $0xAB, s1;
	s5 =	sshll.u32 s5, $0x8;
	_ =	swait.ge [sflag:s30], $0x100  }
0x30: {  	s9 =	ssub.s32 @!p0 $0x4, s9;
	s8 =	sor.u32 $0x10000, s5;
	[sflag:s30] =	ssyncset.done $0x0  }
0x31: {  	s5 =	sor.u32 $0x10080, s5;
	s0 =	sand.u32 $0x8000, s0;
	[sflag:s30] =	ssyncadd.s32 $0xFFFFFF00  }
0x32: {  	[tilespmem:s0], [sflag:$0x1] =	stream.indirect.gather.add.f32 [hbm:s2], $0x80, s8, s22, $0xb8;
	[tilespmem:$0x10300] =	vst v63  }
0x33: {  	s0 =	sor.u32 $0x4000, s0;
	s8 =	sshrl.u32 s17, $0x9;
	s17 =	smov.u32 s7  }
0x34: {  	[tilespmem:s0], [sflag:$0x1] =	stream.indirect.gather.add.f32 [hbm:s2], $0x80, s5, s22, $0xb8;
	[tilespmem:$0x10300] =	vst v63  }
0x35: {  	s5 =	simm.s32 $0x18000;
	s0 =	sadd.s32 $0x20, s7;
	_ =	swait.ge [sflag:s29], $0x4000  }
.LBB2_2:
0x36: {  	s8 =	sand.u32 $0x7F, s8  }
0x37: {  	[sflag:s29] =	ssyncset.done $0x0;
	s9 =	sand.u32 @!p0 $0xFF, s9;
	s10 =	smov.u32 s6  }
0x38: {  	s8 =	smul.u32 $0x3, s8;
	[sflag:s29] =	ssyncadd.s32 $0xFFFFC000;
	s9 =	sshll.u32 @!p0 s9, $0x8  }
0x39: {  	s6 =	sadd.s32 $0x1, s6;
	_ =	swait.ge [sflag:s29], $0x4000;
	s9 =	sor.u32 @!p0 $0x10000, s9  }
0x3a: {  	p1 =	sne.s32 s6, $0xC8;
	s8 =	ssub.s32 s1, s8;
	[sflag:s29] =	ssyncset.done $0x0  }
0x3b: {  	s11 =	simm.s32 @!p0 $0x0;
	s8 =	sand.u32 $0xFF, s8;
	[sflag:s29] =	ssyncadd.s32 $0xFFFFC000  }
0x3c: {  	p2 =	sgt.u32 s1, $0xC5;
	s8 =	sshll.u32 s8, $0x8  }
0x3d: {  	[tilespmem:s9], [sflag:$0x2] =	stream.linear.gather @!p0 [hbm4b:s17+s11], $0x100, $0x38;
	[tilespmem:$0x10300] =	vst v63  }
0x3e: {  	s9 =	sadd.s32 @!p2 $0x2, s1;
	s1 =	smov.u32 s10;
	_ =	swait.ge [sflag:s30], $0x100  }
0x3f: {  	s10 =	sor.u32 $0x10080, s8;
	s11 =	sand.u32 @!p2 $0xFF, s9;
	[sflag:s30] =	ssyncset.done $0x0  }
0x40: {  	s17 =	smov.u32 s0;
	p0 =	por p2, p2;
	[sflag:s30] =	ssyncadd.s32 $0xFFFFFF00  }
0x41: {  	s12 =	sand.u32 $0x8000, s5;
	s8 =	sor.u32 $0x10000, s8;
	s11 =	smul.u32 @!p0 $0xAB, s11  }
0x42: {  	[tilespmem:s12], [sflag:$0x1] =	stream.indirect.gather.add.f32 [hbm:s2], $0x80, s8, s22, $0xb8;
	[tilespmem:$0x10300] =	vst v63  }
.Ltmp0:
0x43: {  	_ = 	snop;
	(pc) =	sbr.rel @p1 .LBB2_2-.Ltmp0, $4  }
0x44: {  	s5 =	sadd.s32 $0x8000, s5;
	s11 =	sshrl.u32 @!p0 s11, $0x9;
	s8 =	smul.u32 $0xAB, s1  }
0x45: {  	s0 =	sadd.s32 $0x20, s0;
	s12 =	sor.u32 $0x4000, s12;
	s11 =	smul.u32 @!p0 $0x3, s11  }
0x46: {  	[tilespmem:s12], [sflag:$0x1] =	stream.indirect.gather.add.f32 [hbm:s2], $0x80, s10, s22, $0xb8;
	[tilespmem:$0x10300] =	vst v63  }
0x47: {  	s8 =	sshrl.u32 s8, $0x9;
	s9 =	ssub.s32 @!p0 s9, s11;
	_ =	swait.ge [sflag:s29], $0x4000  }
0x48: {  	[sflag:s29] =	ssyncset.done $0x0  }
0x49: {  	s6 =	sand.u32 $0x7F, s8;
	[sflag:s29] =	ssyncadd.s32 $0xFFFFC000  }
0x4a: {  	s8 =	sand.u32 @!p0 $0xFF, s9;
	s6 =	smul.u32 $0x3, s6;
	_ =	swait.ge [sflag:s29], $0x4000  }
0x4b: {  	s9 =	simm.s32 @!p0 $0x0;
	s8 =	sshll.u32 @!p0 s8, $0x8;
	[sflag:s29] =	ssyncset.done $0x0  }
0x4c: {  	s8 =	sor.u32 @!p0 $0x10000, s8;
	s6 =	ssub.s32 s1, s6;
	[sflag:s29] =	ssyncadd.s32 $0xFFFFC000  }
0x4d: {  	[tilespmem:s8], [sflag:$0x2] =	stream.linear.gather @!p0 [hbm4b:s17+s9], $0x100, $0x38;
	[tilespmem:$0x10300] =	vst v63  }
0x4e: {  	s5 =	sand.u32 $0x8000, s5;
	s6 =	sand.u32 $0xFF, s6;
	p0 =	sgt.u32 s1, $0xC5  }
0x4f: {  	s6 =	sshll.u32 s6, $0x8;
	_ =	swait.ge [sflag:s30], $0x100;
	s1 =	sadd.s32 @!p0 $0x2, s1  }
0x50: {  	[sflag:s30] =	ssyncset.done $0x0;
	s8 =	sand.u32 @!p0 $0xFF, s1;
	p0 =	por p0, p0  }
0x51: {  	s10 =	sor.u32 $0x10000, s6;
	[sflag:s30] =	ssyncadd.s32 $0xFFFFFF00;
	s8 =	smul.u32 @!p0 $0xAB, s8  }
0x52: {  	[tilespmem:s5], [sflag:$0x1] =	stream.indirect.gather.add.f32 [hbm:s2], $0x80, s10, s22, $0xb8;
	[tilespmem:$0x10300] =	vst v63  }
0x53: {  	s6 =	sor.u32 $0x10080, s6;
	s5 =	sor.u32 $0x4000, s5;
	s8 =	sshrl.u32 @!p0 s8, $0x9  }
0x54: {  	[tilespmem:s5], [sflag:$0x1] =	stream.indirect.gather.add.f32 [hbm:s2], $0x80, s6, s22, $0xb8;
	[tilespmem:$0x10300] =	vst v63  }
0x55: {  	s5 =	smul.u32 @!p0 $0x3, s8;
	_ =	swait.ge [sflag:s29], $0x4000  }
0x56: {  	[sflag:s29] =	ssyncset.done $0x0  }
0x57: {  	s1 =	ssub.s32 @!p0 s1, s5;
	[sflag:s29] =	ssyncadd.s32 $0xFFFFC000  }
0x58: {  	s1 =	sand.u32 @!p0 $0xFF, s1;
	_ =	swait.ge [sflag:s29], $0x4000  }
0x59: {  	s1 =	sshll.u32 @!p0 s1, $0x8;
	[sflag:s29] =	ssyncset.done $0x0  }
0x5a: {  	s5 =	simm.s32 @!p0 $0x0;
	s1 =	sor.u32 @!p0 $0x10000, s1;
	[sflag:s29] =	ssyncadd.s32 $0xFFFFC000  }
0x5b: {  	[tilespmem:s1], [sflag:$0x2] =	stream.linear.gather @!p0 [hbm4b:s0+s5], $0x100, $0x38;
	[tilespmem:$0x10300] =	vst v63  }
0x5c: {  	_ =	swait.ge [sflag:s29], $0x4000  }
0x5d: {  	[sflag:s29] =	ssyncset.done $0x0  }
0x5e: {  	[sflag:s29] =	ssyncadd.s32 $0xFFFFC000  }
0x5f: {  	_ =	swait.ge [sflag:s29], $0x4000  }
0x60: {  	[sflag:s29] =	ssyncset.done $0x0  }
0x61: {  	s11 =	rddreg [dreg:$0x6];
	[sflag:s29] =	ssyncadd.s32 $0xFFFFC000  }
0x62: {  	[hbm4b:s11+s3] =	stream.linear.scatter [tilespmem:s3], [sflag:$0x3], $0x8000, $0x38;
	[tilespmem:$0x10300] =	vst v63  }
0x63: {  	_ =	swait.ge [sflag:s19], $0x8000  }
0x64: {  	[sflag:s19] =	ssyncset.done $0x0  }
0x65: {  	s12 =	rddreg [dreg:$0x7];
	[sflag:s19] =	ssyncadd.s32 $0xFFFF8000  }
0x66: {  	[hbm4b:s12+s3] =	stream.linear.scatter [tilespmem:s25], [sflag:$0x3], $0x8000, $0x38;
	[tilespmem:$0x10300] =	vst v63  }
0x67: {  	_ =	swait.ge [sflag:s19], $0x8000  }
0x68: {  	[sflag:s19] =	ssyncset.done $0x0  }
0x69: {  	s17 =	simm.s32 $0x10000;
	s6 =	rddreg [dreg:$0x8];
	[sflag:s19] =	ssyncadd.s32 $0xFFFF8000  }
0x6a: {  	[tilespmem:s17], [sflag:$0x3] =	stream.linear.gather [hbm4b:s6+s3], $0x100, $0x38;
	[tilespmem:$0x10300] =	vst v63  }
0x6b: {  	_ =	swait.ge [sflag:s19], $0x100  }
0x6c: {  	[sflag:s19] =	ssyncset.done $0x0  }
0x6d: {  	s8 =	rddreg [dreg:$0x9];
	[sflag:s19] =	ssyncadd.s32 $0xFFFFFF00  }
0x6e: {  	[tilespmem:s20], [sflag:$0x2] =	stream.linear.gather [hbm4b:s8+s3], $0x100, $0x38;
	[tilespmem:$0x10300] =	vst v63  }
0x6f: {  	s9 =	rddreg [dreg:$0xa]  }
0x70: {  	[tilespmem:s21], [sflag:$0x2] =	stream.linear.gather [hbm4b:s9+s3], $0x100, $0x38;
	[tilespmem:$0x10300] =	vst v63  }
0x71: {  	_ = 	snop  }
0x72: {  	[tilespmem:s3], [sflag:$0x1] =	stream.indirect.gather [hbm4b:s2+s22], $0x80, s17, s22, $0xb8;
	[tilespmem:$0x10300] =	vst v63  }
0x73: {  	s10 =	simm.s32 $0x2  }
0x74: {  	[tilespmem:s24], [sflag:$0x1] =	stream.indirect.gather [hbm4b:s2+s22], $0x80, s23, s22, $0xb8;
	[tilespmem:$0x10300] =	vst v63  }
0x75: {  	_ =	swait.ge [sflag:s10], $0x100  }
0x76: {  	[sflag:s10] =	ssyncset.done $0x0  }
0x77: {  	s1 =	smul.u32 $0xAB, s10;
	[sflag:s10] =	ssyncadd.s32 $0xFFFFFF00  }
0x78: {  	[tilespmem:s25], [sflag:$0x1] =	stream.indirect.gather [hbm4b:s2+s22], $0x80, s20, s22, $0xb8;
	[tilespmem:$0x10300] =	vst v63  }
0x79: {  	p0 =	por $0x0, $0x0;
	s1 =	sshrl.u32 s1, $0x9  }
0x7a: {  	[tilespmem:s28], [sflag:$0x1] =	stream.indirect.gather [hbm4b:s2+s22], $0x80, s26, s22, $0xb8;
	[tilespmem:$0x10300] =	vst v63  }
0x7b: {  	s0 =	sand.u32 $0x8000, s17;
	s1 =	sand.u32 $0x7F, s1;
	_ =	swait.ge [sflag:s29], $0x4000  }
0x7c: {  	s11 =	smul.u32 $0x3, s1;
	s6 =	simm.s32 @!p0 $0x4;
	[sflag:s29] =	ssyncset.done $0x0  }
0x7d: {  	s6 =	sand.u32 @!p0 $0xFF, s6;
	p0 =	por p0, p0;
	[sflag:s29] =	ssyncadd.s32 $0xFFFFC000  }
0x7e: {  	s5 =	ssub.s32 $0x2, s11;
	s6 =	smul.u32 @!p0 $0xAB, s6;
	_ =	swait.ge [sflag:s29], $0x4000  }
0x7f: {  	s1 =	simm.s32 $0x3;
	s5 =	sand.u32 $0xFF, s5;
	[sflag:s29] =	ssyncset.done $0x0  }
0x80: {  	s5 =	sshll.u32 s5, $0x8;
	s6 =	sshrl.u32 @!p0 s6, $0x9;
	[sflag:s29] =	ssyncadd.s32 $0xFFFFC000  }
0x81: {  	[tilespmem:s17], [sflag:$0x2] =	stream.linear.gather [hbm4b:s13+s3], $0x100, $0x38;
	[tilespmem:$0x10300] =	vst v63  }
0x82: {  	s12 =	sor.u32 $0x10000, s5;
	s9 =	smul.u32 @!p0 $0x3, s6;
	_ =	swait.ge [sflag:s30], $0x100  }
0x83: {  	s5 =	sor.u32 $0x10080, s5;
	s6 =	simm.s32 $0x4;
	[sflag:s30] =	ssyncset.done $0x0  }
0x84: {  	s9 =	ssub.s32 @!p0 $0x4, s9;
	s17 =	smul.u32 $0xAB, s1;
	[sflag:s30] =	ssyncadd.s32 $0xFFFFFF00  }
0x85: {  	[tilespmem:s0], [sflag:$0x1] =	stream.indirect.gather.add.f32 [hbm:s2], $0x80, s12, s22, $0xb8;
	[tilespmem:$0x10300] =	vst v63  }
0x86: {  	s8 =	sshrl.u32 s17, $0x9;
	s17 =	smov.u32 s18;
	s0 =	sor.u32 $0x4000, s0  }
0x87: {  	[tilespmem:s0], [sflag:$0x1] =	stream.indirect.gather.add.f32 [hbm:s2], $0x80, s5, s22, $0xb8;
	[tilespmem:$0x10300] =	vst v63  }
0x88: {  	s5 =	simm.s32 $0x18000;
	s0 =	sadd.s32 $0x20, s18;
	_ =	swait.ge [sflag:s29], $0x4000  }
.LBB2_4:
0x89: {  	s8 =	sand.u32 $0x7F, s8  }
0x8a: {  	[sflag:s29] =	ssyncset.done $0x0;
	s9 =	sand.u32 @!p0 $0xFF, s9;
	s10 =	smov.u32 s6  }
0x8b: {  	s8 =	smul.u32 $0x3, s8;
	[sflag:s29] =	ssyncadd.s32 $0xFFFFC000;
	s9 =	sshll.u32 @!p0 s9, $0x8  }
0x8c: {  	s6 =	sadd.s32 $0x1, s6;
	_ =	swait.ge [sflag:s29], $0x4000;
	s9 =	sor.u32 @!p0 $0x10000, s9  }
0x8d: {  	p1 =	sne.s32 s6, $0xC8;
	s8 =	ssub.s32 s1, s8;
	[sflag:s29] =	ssyncset.done $0x0  }
0x8e: {  	s11 =	simm.s32 @!p0 $0x0;
	s8 =	sand.u32 $0xFF, s8;
	[sflag:s29] =	ssyncadd.s32 $0xFFFFC000  }
0x8f: {  	p2 =	sgt.u32 s1, $0xC5;
	s8 =	sshll.u32 s8, $0x8  }
0x90: {  	[tilespmem:s9], [sflag:$0x2] =	stream.linear.gather @!p0 [hbm4b:s17+s11], $0x100, $0x38;
	[tilespmem:$0x10300] =	vst v63  }
0x91: {  	s9 =	sadd.s32 @!p2 $0x2, s1;
	s1 =	smov.u32 s10;
	_ =	swait.ge [sflag:s30], $0x100  }
0x92: {  	s10 =	sor.u32 $0x10080, s8;
	s11 =	sand.u32 @!p2 $0xFF, s9;
	[sflag:s30] =	ssyncset.done $0x0  }
0x93: {  	s17 =	smov.u32 s0;
	p0 =	por p2, p2;
	[sflag:s30] =	ssyncadd.s32 $0xFFFFFF00  }
0x94: {  	s12 =	sand.u32 $0x8000, s5;
	s8 =	sor.u32 $0x10000, s8;
	s11 =	smul.u32 @!p0 $0xAB, s11  }
0x95: {  	[tilespmem:s12], [sflag:$0x1] =	stream.indirect.gather.add.f32 [hbm:s2], $0x80, s8, s22, $0xb8;
	[tilespmem:$0x10300] =	vst v63  }
.Ltmp1:
0x96: {  	_ = 	snop;
	(pc) =	sbr.rel @p1 .LBB2_4-.Ltmp1, $4  }
0x97: {  	s5 =	sadd.s32 $0x8000, s5;
	s11 =	sshrl.u32 @!p0 s11, $0x9;
	s8 =	smul.u32 $0xAB, s1  }
0x98: {  	s0 =	sadd.s32 $0x20, s0;
	s12 =	sor.u32 $0x4000, s12;
	s11 =	smul.u32 @!p0 $0x3, s11  }
0x99: {  	[tilespmem:s12], [sflag:$0x1] =	stream.indirect.gather.add.f32 [hbm:s2], $0x80, s10, s22, $0xb8;
	[tilespmem:$0x10300] =	vst v63  }
0x9a: {  	s8 =	sshrl.u32 s8, $0x9;
	s9 =	ssub.s32 @!p0 s9, s11;
	_ =	swait.ge [sflag:s29], $0x4000  }
0x9b: {  	[sflag:s29] =	ssyncset.done $0x0  }
0x9c: {  	s6 =	sand.u32 $0x7F, s8;
	[sflag:s29] =	ssyncadd.s32 $0xFFFFC000  }
0x9d: {  	s8 =	sand.u32 @!p0 $0xFF, s9;
	s6 =	smul.u32 $0x3, s6;
	_ =	swait.ge [sflag:s29], $0x4000  }
0x9e: {  	s9 =	simm.s32 @!p0 $0x0;
	s8 =	sshll.u32 @!p0 s8, $0x8;
	[sflag:s29] =	ssyncset.done $0x0  }
0x9f: {  	s8 =	sor.u32 @!p0 $0x10000, s8;
	s6 =	ssub.s32 s1, s6;
	[sflag:s29] =	ssyncadd.s32 $0xFFFFC000  }
0xa0: {  	[tilespmem:s8], [sflag:$0x2] =	stream.linear.gather @!p0 [hbm4b:s17+s9], $0x100, $0x38;
	[tilespmem:$0x10300] =	vst v63  }
0xa1: {  	s5 =	sand.u32 $0x8000, s5;
	s6 =	sand.u32 $0xFF, s6;
	p0 =	sgt.u32 s1, $0xC5  }
0xa2: {  	s6 =	sshll.u32 s6, $0x8;
	_ =	swait.ge [sflag:s30], $0x100;
	s1 =	sadd.s32 @!p0 $0x2, s1  }
0xa3: {  	[sflag:s30] =	ssyncset.done $0x0;
	s8 =	sand.u32 @!p0 $0xFF, s1;
	p0 =	por p0, p0  }
0xa4: {  	s17 =	sor.u32 $0x10000, s6;
	[sflag:s30] =	ssyncadd.s32 $0xFFFFFF00;
	s8 =	smul.u32 @!p0 $0xAB, s8  }
0xa5: {  	[tilespmem:s5], [sflag:$0x1] =	stream.indirect.gather.add.f32 [hbm:s2], $0x80, s17, s22, $0xb8;
	[tilespmem:$0x10300] =	vst v63  }
0xa6: {  	s6 =	sor.u32 $0x10080, s6;
	s5 =	sor.u32 $0x4000, s5;
	s8 =	sshrl.u32 @!p0 s8, $0x9  }
0xa7: {  	[tilespmem:s5], [sflag:$0x1] =	stream.indirect.gather.add.f32 [hbm:s2], $0x80, s6, s22, $0xb8;
	[tilespmem:$0x10300] =	vst v63  }
0xa8: {  	s5 =	smul.u32 @!p0 $0x3, s8;
	_ =	swait.ge [sflag:s29], $0x4000  }
0xa9: {  	[sflag:s29] =	ssyncset.done $0x0  }
0xaa: {  	s1 =	ssub.s32 @!p0 s1, s5;
	[sflag:s29] =	ssyncadd.s32 $0xFFFFC000  }
0xab: {  	s1 =	sand.u32 @!p0 $0xFF, s1;
	_ =	swait.ge [sflag:s29], $0x4000  }
0xac: {  	s1 =	sshll.u32 @!p0 s1, $0x8;
	[sflag:s29] =	ssyncset.done $0x0  }
0xad: {  	s5 =	simm.s32 @!p0 $0x0;
	s1 =	sor.u32 @!p0 $0x10000, s1;
	[sflag:s29] =	ssyncadd.s32 $0xFFFFC000  }
0xae: {  	[tilespmem:s1], [sflag:$0x2] =	stream.linear.gather @!p0 [hbm4b:s0+s5], $0x100, $0x38;
	[tilespmem:$0x10300] =	vst v63  }
0xaf: {  	_ =	swait.ge [sflag:s29], $0x4000  }
0xb0: {  	[sflag:s29] =	ssyncset.done $0x0  }
0xb1: {  	[sflag:s29] =	ssyncadd.s32 $0xFFFFC000  }
0xb2: {  	_ =	swait.ge [sflag:s29], $0x4000  }
0xb3: {  	[sflag:s29] =	ssyncset.done $0x0  }
0xb4: {  	[sflag:s29] =	ssyncadd.s32 $0xFFFFC000  }
0xb5: {  	[hbm4b:s14+s3] =	stream.linear.scatter [tilespmem:s3], [sflag:$0x3], $0x8000, $0x38;
	[tilespmem:$0x10300] =	vst v63  }
0xb6: {  	s31 =	sadd.s32 $0x1, s31;
	_ =	swait.ge [sflag:s19], $0x8000  }
0xb7: {  	p0 =	sne.s32 s31, s16;
	[sflag:s19] =	ssyncset.done $0x0  }
.Ltmp2:
0xb8: {  	[sflag:s19] =	ssyncadd.s32 $0xFFFF8000;
	(pc) =	sbr.rel @p0 .LBB2_1-.Ltmp2, $4  }
0xb9: {  	[hbm4b:s15+s3] =	stream.linear.scatter [tilespmem:s25], [sflag:$0x3], $0x8000, $0x38;
	[tilespmem:$0x10300] =	vst v63  }
0xba: {  	_ =	swait.ge [sflag:s19], $0x8000  }
0xbb: {  	[sflag:s19] =	ssyncset.done $0x0  }
0xbc: {  	[sflag:s19] =	ssyncadd.s32 $0xFFFF8000  }
0xbd: {  	_ =	sfence.sel $0x180000  }
0xbe: {  	[bflag:$0x0] =	sbarrier.arrive $0xFFFF  }
0xbf: {  	_ =	strace $0x90000047  }
0xc0: {  	s0 =	stileid.u32;
	[bflag:$0x2] =	sbarrier.arrive $0xFFFF  }
0xc1: {  	p0 =	sne.s32 s0, $0x0;
	s0 =	rddreg [dreg:$0x2]  }
0xc2: {  	s0 =	sadd.s32 @!p0 $0x100000, s0  }
0xc3: {  	[sflag:s0] =	ssyncadd.tile.s32 @!p0 $0x1;
	_ =	shalt  }
.Lfunc_end2:
_tile_overlayer_lowered:
.L_overlay_start_2:
0xc4: {  	(tag) =	ssettag $0x2  }
0xc5: {  	s0 =	rddreg [dreg:$0x0];
	s2 =	stileid.u32  }
0xc6: {  	s1 =	rddreg [dreg:$0x1];
	p0 =	sne.s32 s2, $0x0  }
0xc7: {  	s3 =	rddreg [dreg:$0x2];
	[bflag:$0x3] =	sbarrier.arrive $0xFFFF;
	s2 =	simm.s32 @!p0 $0x1C03  }
0xc8: {  	[timem:s3], [sflag:s2] =	dma.local @!p0 [hbm:s0], s1  }
0xc9: {  	s0 =	simm.s32 @!p0 $0x3  }
0xca: {  	_ =	swait.ge @!p0 [sflag:s0], s1  }
0xcb: {  	s1 =	ssub.s32 @!p0 $0x0, s1;
	[sflag:s0] =	ssyncset.done @!p0 $0x0  }
0xcc: {  	[sflag:s0] =	ssyncadd.s32 @!p0 s1  }
0xcd: {  	[bflag:$0x3] =	sbarrier.arrive $0xFFFF  }
0xce: {  	_ =	shalt  }

</sc_bundles>
